<compile_context>
chip_gen: v7x
topology: tpu7x:2x2x1
jax: 0.10.2.dev20260603
libtpu: 0.0.44.dev20260713+nightly
codegen_flags: <defaults>
</compile_context>

<pallas_src>
import functools

import jax
import jax.numpy as jnp
from jax import lax
from jax.experimental import pallas as pl
from jax.experimental.pallas import tpu as pltpu
from jax.experimental.pallas import tpu_sc as plsc

_VOCAB = 151936
_D = 1024
_B = 2
_S = 4096
_H = 16
_HEAD = _D // _H
_THETA = 1000000.0

_N = _B * _S
_NC = 2
_NS = 16
_NW = _NC * _NS
_PER_W = _N // _NW
_CHUNK = 32
_NCH = _PER_W // _CHUNK
_NBUF = 3


def _gather_body(ids_hbm, table_hbm, out_hbm, idx_v, rows_v, gsem, wsem):
    wid = lax.axis_index("s") * _NC + lax.axis_index("c")
    wpb = _S // _PER_W
    b = wid // wpb
    s0 = (wid % wpb) * _PER_W
    pltpu.sync_copy(ids_hbm.at[b, pl.ds(s0, _PER_W)], idx_v)

    def gather(c):
        return pltpu.async_copy(table_hbm.at[idx_v.at[pl.ds(c * _CHUNK, _CHUNK)]],
                                rows_v.at[c % _NBUF], gsem)

    def write(c):
        return pltpu.async_copy(rows_v.at[c % _NBUF],
                                out_hbm.at[b, pl.ds(s0 + c * _CHUNK, _CHUNK)],
                                wsem)

    gathers = [gather(0), gather(1)]
    writes = []
    for c in range(_NCH):
        gathers[c].wait()
        writes.append(write(c))
        if c + 2 < _NCH:
            if c >= 1:
                writes[c - 1].wait()
            gathers.append(gather(c + 2))
    for c in range(max(0, _NCH - 3), _NCH):
        writes[c].wait()


def _rope_body(inv_ref, cos_ref, sin_ref, pos_ref):
    pos = lax.broadcasted_iota(jnp.int32, (1, _S, _HEAD), 1)
    ang = pos.astype(jnp.float32) * inv_ref[...]
    cos_ref[...] = jnp.cos(ang)
    sin_ref[...] = jnp.sin(ang)
    pos_ref[...] = lax.broadcasted_iota(jnp.int32, (1, _S), 1)


def kernel(input_ids, labels, W):
    @functools.partial(
        pl.kernel,
        out_type=jax.ShapeDtypeStruct((_B, _S, _D), jnp.float32),
        mesh=plsc.VectorSubcoreMesh(core_axis_name="c", subcore_axis_name="s"),
        scratch_types=[
            pltpu.VMEM((_PER_W,), jnp.int32),
            pltpu.VMEM((_NBUF, _CHUNK, _D), jnp.float32),
            pltpu.SemaphoreType.DMA,
            pltpu.SemaphoreType.DMA,
        ],
    )
    def gather_sc(ids_hbm, table_hbm, out_hbm, idx_v, rows_v, gsem, wsem):
        _gather_body(ids_hbm, table_hbm, out_hbm, idx_v, rows_v, gsem, wsem)

    hidden_states = gather_sc(input_ids, W)

    half = jnp.arange(0, _HEAD, 2, dtype=jnp.float32) / _HEAD
    inv_freq = 1.0 / (_THETA ** half)
    inv_full = jnp.concatenate([inv_freq, inv_freq])[None, None, :]

    cos, sin, position_ids = pl.pallas_call(
        _rope_body,
        out_shape=[
            jax.ShapeDtypeStruct((1, _S, _HEAD), jnp.float32),
            jax.ShapeDtypeStruct((1, _S, _HEAD), jnp.float32),
            jax.ShapeDtypeStruct((1, _S), jnp.int32),
        ],
    )(inv_full)

    requires_grad_idx = jnp.array([3], dtype=jnp.int32)
    cache_position = position_ids.reshape(_S)
    return (requires_grad_idx, cos, sin, hidden_states, position_ids,
            cache_position, labels)

# --- scband reference (transcript-rebuilt; emitter-appended) ---
"""Pipeline reference for scband-pre-embedding-pipe-layer-48275432407501 (READ-ONLY COPY).

The authoritative reference and input builder live on the scoring server;
editing this copy changes nothing except your own understanding.
"""

import jax, jax.numpy as jnp
import numpy as np

VOCAB = 151936
D = 1024
B = 2
S = 4096
H = 16
HEAD = D // H
THETA = 1000000.0


def setup_inputs(seed: int = 0) -> dict:
    key = jax.random.key(seed)
    k1, k2, k3 = jax.random.split(key, 3)
    input_ids = jax.random.randint(k1, (B, S), 0, VOCAB, dtype=jnp.int32)
    labels = jax.random.randint(k2, (B, S), 0, VOCAB, dtype=jnp.int32)
    # learned embedding table (model.model.embed_tokens.weight)
    W = jax.random.normal(k3, (VOCAB, D), dtype=jnp.float32) * 0.02
    return {"input_ids": input_ids, "labels": labels, "W": W}


def reference(input_ids, labels, W):
    # embedding lookup: inputs_embeds = embed_tokens(input_ids)
    inputs_embeds = jnp.take(W, input_ids, axis=0)  # [B, S, D]
    hidden_states = inputs_embeds
    # cache_position = arange(0, seq_len); position_ids = cache_position.unsqueeze(0)
    cache_position = jnp.arange(0, inputs_embeds.shape[1], dtype=jnp.int32)
    position_ids = cache_position[None, :]  # [1, S]
    # Qwen2 rotary embedding (default RoPE): inv_freq over head_dim
    inv_freq = 1.0 / (THETA ** (jnp.arange(0, HEAD, 2, dtype=jnp.float32) / HEAD))  # [HEAD//2]
    freqs = position_ids[..., None].astype(jnp.float32) * inv_freq[None, None, :]  # [1, S, HEAD//2]
    emb = jnp.concatenate([freqs, freqs], axis=-1)  # [1, S, HEAD]
    cos = jnp.cos(emb).astype(hidden_states.dtype)
    sin = jnp.sin(emb).astype(hidden_states.dtype)
    requires_grad_idx = jnp.array([3], dtype=jnp.int32)
    return (requires_grad_idx, cos, sin, hidden_states, position_ids, cache_position, labels)

if __name__ == "__main__":
    import jax
    _d = setup_inputs()
    print(jax.jit(kernel)(*tuple(_d.values())))

</pallas_src>

<mosaic_0001>
#map = affine_map<(d0, d1) -> (0, 0)>
#map1 = affine_map<(d0, d1) -> (0, 0, 0)>
module attributes {stable_mosaic.version = 14 : i64} {
  func.func @gather_sc(%arg0: i32, %arg1: i32, %arg2: memref<2x4096xi32, #tpu.memory_space<hbm>>, %arg3: memref<151936x1024xf32, #tpu.memory_space<hbm>>, %arg4: memref<2x4096x1024xf32, #tpu.memory_space<hbm>>, %arg5: memref<256xi32, #tpu.memory_space<vmem>>, %arg6: memref<3x32x1024xf32, #tpu.memory_space<vmem>>, %arg7: memref<!tpu.dma_semaphore, #tpu.memory_space<semaphore_mem>>, %arg8: memref<!tpu.dma_semaphore, #tpu.memory_space<semaphore_mem>>) attributes {dimension_semantics = [#tpu.dimension_semantics<core_parallel>, #tpu.dimension_semantics<subcore_parallel>], iteration_bounds = array<i64: 2, 16>, scalar_prefetch = 0 : i64, scratch_operands = 4 : i64, tpu.core_type = #tpu.core_type<sc_vector_subcore>, window_params = [{transform_indices = #map}, {transform_indices = #map}, {transform_indices = #map1}]} {
    %mul3A = arith.constant 2 : i32
    %mul3A_0 = arith.muli %arg1, %mul3A : i32
    %add3A = arith.addi %mul3A_0, %arg0 : i32
    %jit3A = arith.constant 16 : i32
    %div3A = arith.divsi %add3A, %jit3A : i32
    %sign3A = arith.constant 0 : i32
    %sign3A_1 = arith.cmpi sgt, %add3A, %sign3A : i32
    %sign3A_2 = arith.extui %sign3A_1 : i1 to i32
    %sign3A_3 = arith.constant 0 : i32
    %sign3A_4 = arith.cmpi slt, %add3A, %sign3A_3 : i32
    %sign3A_5 = arith.extui %sign3A_4 : i1 to i32
    %sign3A_6 = arith.subi %sign3A_2, %sign3A_5 : i32
    %sign3A_7 = arith.constant 0 : i32
    %sign3A_8 = arith.cmpi sgt, %jit3A, %sign3A_7 : i32
    %sign3A_9 = arith.extui %sign3A_8 : i1 to i32
    %sign3A_10 = arith.constant 0 : i32
    %sign3A_11 = arith.cmpi slt, %jit3A, %sign3A_10 : i32
    %sign3A_12 = arith.extui %sign3A_11 : i1 to i32
    %sign3A_13 = arith.subi %sign3A_9, %sign3A_12 : i32
    %ne3A = arith.cmpi ne, %sign3A_6, %sign3A_13 : i32
    %rem3A = arith.remsi %add3A, %jit3A : i32
    %ne3A_14 = arith.constant 0 : i32
    %ne3A_15 = arith.cmpi ne, %rem3A, %ne3A_14 : i32
    %and3A = arith.andi %ne3A, %ne3A_15 : i1
    %sub3A = arith.constant 1 : i32
    %sub3A_16 = arith.subi %div3A, %sub3A : i32
    %select_n3A = arith.select %and3A, %sub3A_16, %div3A : i32
    %jit3A_17 = arith.constant 16 : i32
    %eq3A = arith.constant 0 : i32
    %eq3A_18 = arith.cmpi eq, %jit3A_17, %eq3A : i32
    %jit3A_19 = arith.constant 1 : i32
    %select_n3A_20 = arith.select %eq3A_18, %jit3A_19, %jit3A_17 : i32
    %rem3A_21 = arith.remsi %add3A, %select_n3A_20 : i32
    %ne3A_22 = arith.constant 0 : i32
    %ne3A_23 = arith.cmpi ne, %rem3A_21, %ne3A_22 : i32
    %lt3A = arith.constant 0 : i32
    %lt3A_24 = arith.cmpi slt, %rem3A_21, %lt3A : i32
    %lt3A_25 = arith.constant 0 : i32
    %lt3A_26 = arith.cmpi slt, %select_n3A_20, %lt3A_25 : i32
    %ne3A_27 = arith.xori %lt3A_24, %lt3A_26 : i1
    %and3A_28 = arith.andi %ne3A_27, %ne3A_23 : i1
    %add3A_29 = arith.addi %rem3A_21, %select_n3A_20 : i32
    %select_n3A_30 = arith.select %and3A_28, %add3A_29, %rem3A_21 : i32
    %mul3A_31 = arith.constant 256 : i32
    %mul3A_32 = arith.muli %select_n3A_30, %mul3A_31 : i32
    "tpu.region"() ({
      %run_scoped3A = tpu.sem_alloc : memref<!tpu.dma_semaphore, #tpu.memory_space<semaphore_mem>>
      %dma_start3A_447 = tpu.memref_slice %arg2[%select_n3A, %mul3A_32] : memref<2x4096xi32, #tpu.memory_space<hbm>> -> memref<1x256xi32, #tpu.memory_space<hbm>>
      %dma_start3A_448 = tpu.memref_squeeze %dma_start3A_447 : memref<1x256xi32, #tpu.memory_space<hbm>> -> memref<256xi32, #tpu.memory_space<hbm>>
      %dma_start3A_449 = tpu.memref_slice %arg2[%select_n3A, %mul3A_32] : memref<2x4096xi32, #tpu.memory_space<hbm>> -> memref<1x256xi32, #tpu.memory_space<hbm>>
      %dma_start3A_450 = tpu.memref_squeeze %dma_start3A_449 : memref<1x256xi32, #tpu.memory_space<hbm>> -> memref<256xi32, #tpu.memory_space<hbm>>
      tpu.enqueue_dma source(%dma_start3A_450 : memref<256xi32, #tpu.memory_space<hbm>>) target(%arg5 : memref<256xi32, #tpu.memory_space<vmem>>) target_semaphore(%run_scoped3A : memref<!tpu.dma_semaphore, #tpu.memory_space<semaphore_mem>>)
      %dma_wait3A_451 = tpu.memref_slice %arg2[%select_n3A, %mul3A_32] : memref<2x4096xi32, #tpu.memory_space<hbm>> -> memref<1x256xi32, #tpu.memory_space<hbm>>
      %dma_wait3A_452 = tpu.memref_squeeze %dma_wait3A_451 : memref<1x256xi32, #tpu.memory_space<hbm>> -> memref<256xi32, #tpu.memory_space<hbm>>
      %dma_wait3A_453 = tpu.memref_slice %arg2[%select_n3A, %mul3A_32] : memref<2x4096xi32, #tpu.memory_space<hbm>> -> memref<1x256xi32, #tpu.memory_space<hbm>>
      %dma_wait3A_454 = tpu.memref_squeeze %dma_wait3A_453 : memref<1x256xi32, #tpu.memory_space<hbm>> -> memref<256xi32, #tpu.memory_space<hbm>>
      tpu.wait_dma2 semaphore(%run_scoped3A : memref<!tpu.dma_semaphore, #tpu.memory_space<semaphore_mem>>) src(%dma_wait3A_454 : memref<256xi32, #tpu.memory_space<hbm>>) dst(%arg5 : memref<256xi32, #tpu.memory_space<vmem>>)
      tpu.yield
    }) : () -> ()
    %dma_start3A = arith.constant 0 : i32
    %dma_start3A_33 = arith.constant 0 : i32
    %dma_start3A_34 = arith.constant 0 : i32
    %dma_start3A_35 = tpu.memref_slice %arg6[%dma_start3A, %dma_start3A_33, %dma_start3A_34] : memref<3x32x1024xf32, #tpu.memory_space<vmem>> -> memref<1x32x1024xf32, #tpu.memory_space<vmem>>
    %dma_start3A_36 = tpu.memref_squeeze %dma_start3A_35 : memref<1x32x1024xf32, #tpu.memory_space<vmem>> -> memref<32x1024xf32, #tpu.memory_space<vmem>>
    %dma_start3A_37 = arith.constant 0 : i32
    %dma_start3A_38 = tpu.memref_slice %arg5[%dma_start3A_37] : memref<256xi32, #tpu.memory_space<vmem>> -> memref<32xi32, #tpu.memory_space<vmem>>
    %dma_start3A_39 = arith.constant 0 : i32
    %dma_start3A_40 = arith.constant 0 : i32
    %dma_start3A_41 = tpu.memref_slice %arg3[%dma_start3A_39, %dma_start3A_40] : memref<151936x1024xf32, #tpu.memory_space<hbm>> -> memref<151936x1024xf32, #tpu.memory_space<hbm>>
    tpu.enqueue_indirect_dma source(%dma_start3A_41 : memref<151936x1024xf32, #tpu.memory_space<hbm>>) target(%dma_start3A_36 : memref<32x1024xf32, #tpu.memory_space<vmem>>) offsets(%dma_start3A_38 : memref<32xi32, #tpu.memory_space<vmem>>) semaphore(%arg7 : memref<!tpu.dma_semaphore, #tpu.memory_space<semaphore_mem>>)
    %dma_start3A_42 = arith.constant 1 : i32
    %dma_start3A_43 = arith.constant 0 : i32
    %dma_start3A_44 = arith.constant 0 : i32
    %dma_start3A_45 = tpu.memref_slice %arg6[%dma_start3A_42, %dma_start3A_43, %dma_start3A_44] : memref<3x32x1024xf32, #tpu.memory_space<vmem>> -> memref<1x32x1024xf32, #tpu.memory_space<vmem>>
    %dma_start3A_46 = tpu.memref_squeeze %dma_start3A_45 : memref<1x32x1024xf32, #tpu.memory_space<vmem>> -> memref<32x1024xf32, #tpu.memory_space<vmem>>
    %dma_start3A_47 = arith.constant 32 : i32
    %dma_start3A_48 = tpu.memref_slice %arg5[%dma_start3A_47] : memref<256xi32, #tpu.memory_space<vmem>> -> memref<32xi32, #tpu.memory_space<vmem>>
    %dma_start3A_49 = arith.constant 0 : i32
    %dma_start3A_50 = arith.constant 0 : i32
    %dma_start3A_51 = tpu.memref_slice %arg3[%dma_start3A_49, %dma_start3A_50] : memref<151936x1024xf32, #tpu.memory_space<hbm>> -> memref<151936x1024xf32, #tpu.memory_space<hbm>>
    tpu.enqueue_indirect_dma source(%dma_start3A_51 : memref<151936x1024xf32, #tpu.memory_space<hbm>>) target(%dma_start3A_46 : memref<32x1024xf32, #tpu.memory_space<vmem>>) offsets(%dma_start3A_48 : memref<32xi32, #tpu.memory_space<vmem>>) semaphore(%arg7 : memref<!tpu.dma_semaphore, #tpu.memory_space<semaphore_mem>>)
    %dma_wait3A = arith.constant 0 : i32
    %dma_wait3A_52 = arith.constant 0 : i32
    %dma_wait3A_53 = arith.constant 0 : i32
    %dma_wait3A_54 = tpu.memref_slice %arg6[%dma_wait3A, %dma_wait3A_52, %dma_wait3A_53] : memref<3x32x1024xf32, #tpu.memory_space<vmem>> -> memref<1x32x1024xf32, #tpu.memory_space<vmem>>
    %dma_wait3A_55 = tpu.memref_squeeze %dma_wait3A_54 : memref<1x32x1024xf32, #tpu.memory_space<vmem>> -> memref<32x1024xf32, #tpu.memory_space<vmem>>
    %dma_wait3A_56 = arith.constant 0 : i32
    %dma_wait3A_57 = tpu.memref_slice %arg5[%dma_wait3A_56] : memref<256xi32, #tpu.memory_space<vmem>> -> memref<32xi32, #tpu.memory_space<vmem>>
    %dma_wait3A_58 = arith.constant 0 : i32
    %dma_wait3A_59 = arith.constant 0 : i32
    %dma_wait3A_60 = tpu.memref_slice %arg3[%dma_wait3A_58, %dma_wait3A_59] : memref<151936x1024xf32, #tpu.memory_space<hbm>> -> memref<151936x1024xf32, #tpu.memory_space<hbm>>
    tpu.wait_indirect_dma semaphore(%arg7 : memref<!tpu.dma_semaphore, #tpu.memory_space<semaphore_mem>>) src(%dma_wait3A_60 : memref<151936x1024xf32, #tpu.memory_space<hbm>>) dst(%dma_wait3A_55 : memref<32x1024xf32, #tpu.memory_space<vmem>>)
    %add3A_61 = arith.constant 0 : i32
    %add3A_62 = arith.addi %mul3A_32, %add3A_61 : i32
    %dma_start3A_63 = arith.constant 0 : i32
    %dma_start3A_64 = arith.constant 0 : i32
    %dma_start3A_65 = arith.constant 0 : i32
    %dma_start3A_66 = tpu.memref_slice %arg6[%dma_start3A_63, %dma_start3A_64, %dma_start3A_65] : memref<3x32x1024xf32, #tpu.memory_space<vmem>> -> memref<1x32x1024xf32, #tpu.memory_space<vmem>>
    %dma_start3A_67 = tpu.memref_squeeze %dma_start3A_66 : memref<1x32x1024xf32, #tpu.memory_space<vmem>> -> memref<32x1024xf32, #tpu.memory_space<vmem>>
    %dma_start3A_68 = arith.constant 0 : i32
    %dma_start3A_69 = tpu.memref_slice %arg4[%select_n3A, %add3A_62, %dma_start3A_68] : memref<2x4096x1024xf32, #tpu.memory_space<hbm>> -> memref<1x32x1024xf32, #tpu.memory_space<hbm>>
    %dma_start3A_70 = tpu.memref_squeeze %dma_start3A_69 : memref<1x32x1024xf32, #tpu.memory_space<hbm>> -> memref<32x1024xf32, #tpu.memory_space<hbm>>
    %dma_start3A_71 = arith.constant 0 : i32
    %dma_start3A_72 = tpu.memref_slice %arg4[%select_n3A, %add3A_62, %dma_start3A_71] : memref<2x4096x1024xf32, #tpu.memory_space<hbm>> -> memref<1x32x1024xf32, #tpu.memory_space<hbm>>
    %dma_start3A_73 = tpu.memref_squeeze %dma_start3A_72 : memref<1x32x1024xf32, #tpu.memory_space<hbm>> -> memref<32x1024xf32, #tpu.memory_space<hbm>>
    %dma_start3A_74 = arith.constant 0 : i32
    %dma_start3A_75 = arith.constant 0 : i32
    %dma_start3A_76 = tpu.memref_slice %arg6[%dma_start3A_63, %dma_start3A_74, %dma_start3A_75] : memref<3x32x1024xf32, #tpu.memory_space<vmem>> -> memref<1x32x1024xf32, #tpu.memory_space<vmem>>
    %dma_start3A_77 = tpu.memref_squeeze %dma_start3A_76 : memref<1x32x1024xf32, #tpu.memory_space<vmem>> -> memref<32x1024xf32, #tpu.memory_space<vmem>>
    tpu.enqueue_dma source(%dma_start3A_77 : memref<32x1024xf32, #tpu.memory_space<vmem>>) target(%dma_start3A_73 : memref<32x1024xf32, #tpu.memory_space<hbm>>) target_semaphore(%arg8 : memref<!tpu.dma_semaphore, #tpu.memory_space<semaphore_mem>>)
    %dma_start3A_78 = arith.constant 2 : i32
    %dma_start3A_79 = arith.constant 0 : i32
    %dma_start3A_80 = arith.constant 0 : i32
    %dma_start3A_81 = tpu.memref_slice %arg6[%dma_start3A_78, %dma_start3A_79, %dma_start3A_80] : memref<3x32x1024xf32, #tpu.memory_space<vmem>> -> memref<1x32x1024xf32, #tpu.memory_space<vmem>>
    %dma_start3A_82 = tpu.memref_squeeze %dma_start3A_81 : memref<1x32x1024xf32, #tpu.memory_space<vmem>> -> memref<32x1024xf32, #tpu.memory_space<vmem>>
    %dma_start3A_83 = arith.constant 64 : i32
    %dma_start3A_84 = tpu.memref_slice %arg5[%dma_start3A_83] : memref<256xi32, #tpu.memory_space<vmem>> -> memref<32xi32, #tpu.memory_space<vmem>>
    %dma_start3A_85 = arith.constant 0 : i32
    %dma_start3A_86 = arith.constant 0 : i32
    %dma_start3A_87 = tpu.memref_slice %arg3[%dma_start3A_85, %dma_start3A_86] : memref<151936x1024xf32, #tpu.memory_space<hbm>> -> memref<151936x1024xf32, #tpu.memory_space<hbm>>
    tpu.enqueue_indirect_dma source(%dma_start3A_87 : memref<151936x1024xf32, #tpu.memory_space<hbm>>) target(%dma_start3A_82 : memref<32x1024xf32, #tpu.memory_space<vmem>>) offsets(%dma_start3A_84 : memref<32xi32, #tpu.memory_space<vmem>>) semaphore(%arg7 : memref<!tpu.dma_semaphore, #tpu.memory_space<semaphore_mem>>)
    %dma_wait3A_88 = arith.constant 1 : i32
    %dma_wait3A_89 = arith.constant 0 : i32
    %dma_wait3A_90 = arith.constant 0 : i32
    %dma_wait3A_91 = tpu.memref_slice %arg6[%dma_wait3A_88, %dma_wait3A_89, %dma_wait3A_90] : memref<3x32x1024xf32, #tpu.memory_space<vmem>> -> memref<1x32x1024xf32, #tpu.memory_space<vmem>>
    %dma_wait3A_92 = tpu.memref_squeeze %dma_wait3A_91 : memref<1x32x1024xf32, #tpu.memory_space<vmem>> -> memref<32x1024xf32, #tpu.memory_space<vmem>>
    %dma_wait3A_93 = arith.constant 32 : i32
    %dma_wait3A_94 = tpu.memref_slice %arg5[%dma_wait3A_93] : memref<256xi32, #tpu.memory_space<vmem>> -> memref<32xi32, #tpu.memory_space<vmem>>
    %dma_wait3A_95 = arith.constant 0 : i32
    %dma_wait3A_96 = arith.constant 0 : i32
    %dma_wait3A_97 = tpu.memref_slice %arg3[%dma_wait3A_95, %dma_wait3A_96] : memref<151936x1024xf32, #tpu.memory_space<hbm>> -> memref<151936x1024xf32, #tpu.memory_space<hbm>>
    tpu.wait_indirect_dma semaphore(%arg7 : memref<!tpu.dma_semaphore, #tpu.memory_space<semaphore_mem>>) src(%dma_wait3A_97 : memref<151936x1024xf32, #tpu.memory_space<hbm>>) dst(%dma_wait3A_92 : memref<32x1024xf32, #tpu.memory_space<vmem>>)
    %add3A_98 = arith.constant 32 : i32
    %add3A_99 = arith.addi %mul3A_32, %add3A_98 : i32
    %dma_start3A_100 = arith.constant 1 : i32
    %dma_start3A_101 = arith.constant 0 : i32
    %dma_start3A_102 = arith.constant 0 : i32
    %dma_start3A_103 = tpu.memref_slice %arg6[%dma_start3A_100, %dma_start3A_101, %dma_start3A_102] : memref<3x32x1024xf32, #tpu.memory_space<vmem>> -> memref<1x32x1024xf32, #tpu.memory_space<vmem>>
    %dma_start3A_104 = tpu.memref_squeeze %dma_start3A_103 : memref<1x32x1024xf32, #tpu.memory_space<vmem>> -> memref<32x1024xf32, #tpu.memory_space<vmem>>
    %dma_start3A_105 = arith.constant 0 : i32
    %dma_start3A_106 = tpu.memref_slice %arg4[%select_n3A, %add3A_99, %dma_start3A_105] : memref<2x4096x1024xf32, #tpu.memory_space<hbm>> -> memref<1x32x1024xf32, #tpu.memory_space<hbm>>
    %dma_start3A_107 = tpu.memref_squeeze %dma_start3A_106 : memref<1x32x1024xf32, #tpu.memory_space<hbm>> -> memref<32x1024xf32, #tpu.memory_space<hbm>>
    %dma_start3A_108 = arith.constant 0 : i32
    %dma_start3A_109 = tpu.memref_slice %arg4[%select_n3A, %add3A_99, %dma_start3A_108] : memref<2x4096x1024xf32, #tpu.memory_space<hbm>> -> memref<1x32x1024xf32, #tpu.memory_space<hbm>>
    %dma_start3A_110 = tpu.memref_squeeze %dma_start3A_109 : memref<1x32x1024xf32, #tpu.memory_space<hbm>> -> memref<32x1024xf32, #tpu.memory_space<hbm>>
    %dma_start3A_111 = arith.constant 0 : i32
    %dma_start3A_112 = arith.constant 0 : i32
    %dma_start3A_113 = tpu.memref_slice %arg6[%dma_start3A_100, %dma_start3A_111, %dma_start3A_112] : memref<3x32x1024xf32, #tpu.memory_space<vmem>> -> memref<1x32x1024xf32, #tpu.memory_space<vmem>>
    %dma_start3A_114 = tpu.memref_squeeze %dma_start3A_113 : memref<1x32x1024xf32, #tpu.memory_space<vmem>> -> memref<32x1024xf32, #tpu.memory_space<vmem>>
    tpu.enqueue_dma source(%dma_start3A_114 : memref<32x1024xf32, #tpu.memory_space<vmem>>) target(%dma_start3A_110 : memref<32x1024xf32, #tpu.memory_space<hbm>>) target_semaphore(%arg8 : memref<!tpu.dma_semaphore, #tpu.memory_space<semaphore_mem>>)
    %dma_wait3A_115 = arith.constant 0 : i32
    %dma_wait3A_116 = arith.constant 0 : i32
    %dma_wait3A_117 = arith.constant 0 : i32
    %dma_wait3A_118 = tpu.memref_slice %arg6[%dma_wait3A_115, %dma_wait3A_116, %dma_wait3A_117] : memref<3x32x1024xf32, #tpu.memory_space<vmem>> -> memref<1x32x1024xf32, #tpu.memory_space<vmem>>
    %dma_wait3A_119 = tpu.memref_squeeze %dma_wait3A_118 : memref<1x32x1024xf32, #tpu.memory_space<vmem>> -> memref<32x1024xf32, #tpu.memory_space<vmem>>
    %dma_wait3A_120 = arith.constant 0 : i32
    %dma_wait3A_121 = tpu.memref_slice %arg4[%select_n3A, %add3A_62, %dma_wait3A_120] : memref<2x4096x1024xf32, #tpu.memory_space<hbm>> -> memref<1x32x1024xf32, #tpu.memory_space<hbm>>
    %dma_wait3A_122 = tpu.memref_squeeze %dma_wait3A_121 : memref<1x32x1024xf32, #tpu.memory_space<hbm>> -> memref<32x1024xf32, #tpu.memory_space<hbm>>
    %dma_wait3A_123 = arith.constant 0 : i32
    %dma_wait3A_124 = tpu.memref_slice %arg4[%select_n3A, %add3A_62, %dma_wait3A_123] : memref<2x4096x1024xf32, #tpu.memory_space<hbm>> -> memref<1x32x1024xf32, #tpu.memory_space<hbm>>
    %dma_wait3A_125 = tpu.memref_squeeze %dma_wait3A_124 : memref<1x32x1024xf32, #tpu.memory_space<hbm>> -> memref<32x1024xf32, #tpu.memory_space<hbm>>
    %dma_wait3A_126 = arith.constant 0 : i32
    %dma_wait3A_127 = arith.constant 0 : i32
    %dma_wait3A_128 = tpu.memref_slice %arg6[%dma_wait3A_115, %dma_wait3A_126, %dma_wait3A_127] : memref<3x32x1024xf32, #tpu.memory_space<vmem>> -> memref<1x32x1024xf32, #tpu.memory_space<vmem>>
    %dma_wait3A_129 = tpu.memref_squeeze %dma_wait3A_128 : memref<1x32x1024xf32, #tpu.memory_space<vmem>> -> memref<32x1024xf32, #tpu.memory_space<vmem>>
    tpu.wait_dma2 semaphore(%arg8 : memref<!tpu.dma_semaphore, #tpu.memory_space<semaphore_mem>>) src(%dma_wait3A_129 : memref<32x1024xf32, #tpu.memory_space<vmem>>) dst(%dma_wait3A_125 : memref<32x1024xf32, #tpu.memory_space<hbm>>)
    %dma_start3A_130 = arith.constant 0 : i32
    %dma_start3A_131 = arith.constant 0 : i32
    %dma_start3A_132 = arith.constant 0 : i32
    %dma_start3A_133 = tpu.memref_slice %arg6[%dma_start3A_130, %dma_start3A_131, %dma_start3A_132] : memref<3x32x1024xf32, #tpu.memory_space<vmem>> -> memref<1x32x1024xf32, #tpu.memory_space<vmem>>
    %dma_start3A_134 = tpu.memref_squeeze %dma_start3A_133 : memref<1x32x1024xf32, #tpu.memory_space<vmem>> -> memref<32x1024xf32, #tpu.memory_space<vmem>>
    %dma_start3A_135 = arith.constant 96 : i32
    %dma_start3A_136 = tpu.memref_slice %arg5[%dma_start3A_135] : memref<256xi32, #tpu.memory_space<vmem>> -> memref<32xi32, #tpu.memory_space<vmem>>
    %dma_start3A_137 = arith.constant 0 : i32
    %dma_start3A_138 = arith.constant 0 : i32
    %dma_start3A_139 = tpu.memref_slice %arg3[%dma_start3A_137, %dma_start3A_138] : memref<151936x1024xf32, #tpu.memory_space<hbm>> -> memref<151936x1024xf32, #tpu.memory_space<hbm>>
    tpu.enqueue_indirect_dma source(%dma_start3A_139 : memref<151936x1024xf32, #tpu.memory_space<hbm>>) target(%dma_start3A_134 : memref<32x1024xf32, #tpu.memory_space<vmem>>) offsets(%dma_start3A_136 : memref<32xi32, #tpu.memory_space<vmem>>) semaphore(%arg7 : memref<!tpu.dma_semaphore, #tpu.memory_space<semaphore_mem>>)
    %dma_wait3A_140 = arith.constant 2 : i32
    %dma_wait3A_141 = arith.constant 0 : i32
    %dma_wait3A_142 = arith.constant 0 : i32
    %dma_wait3A_143 = tpu.memref_slice %arg6[%dma_wait3A_140, %dma_wait3A_141, %dma_wait3A_142] : memref<3x32x1024xf32, #tpu.memory_space<vmem>> -> memref<1x32x1024xf32, #tpu.memory_space<vmem>>
    %dma_wait3A_144 = tpu.memref_squeeze %dma_wait3A_143 : memref<1x32x1024xf32, #tpu.memory_space<vmem>> -> memref<32x1024xf32, #tpu.memory_space<vmem>>
    %dma_wait3A_145 = arith.constant 64 : i32
    %dma_wait3A_146 = tpu.memref_slice %arg5[%dma_wait3A_145] : memref<256xi32, #tpu.memory_space<vmem>> -> memref<32xi32, #tpu.memory_space<vmem>>
    %dma_wait3A_147 = arith.constant 0 : i32
    %dma_wait3A_148 = arith.constant 0 : i32
    %dma_wait3A_149 = tpu.memref_slice %arg3[%dma_wait3A_147, %dma_wait3A_148] : memref<151936x1024xf32, #tpu.memory_space<hbm>> -> memref<151936x1024xf32, #tpu.memory_space<hbm>>
    tpu.wait_indirect_dma semaphore(%arg7 : memref<!tpu.dma_semaphore, #tpu.memory_space<semaphore_mem>>) src(%dma_wait3A_149 : memref<151936x1024xf32, #tpu.memory_space<hbm>>) dst(%dma_wait3A_144 : memref<32x1024xf32, #tpu.memory_space<vmem>>)
    %add3A_150 = arith.constant 64 : i32
    %add3A_151 = arith.addi %mul3A_32, %add3A_150 : i32
    %dma_start3A_152 = arith.constant 2 : i32
    %dma_start3A_153 = arith.constant 0 : i32
    %dma_start3A_154 = arith.constant 0 : i32
    %dma_start3A_155 = tpu.memref_slice %arg6[%dma_start3A_152, %dma_start3A_153, %dma_start3A_154] : memref<3x32x1024xf32, #tpu.memory_space<vmem>> -> memref<1x32x1024xf32, #tpu.memory_space<vmem>>
    %dma_start3A_156 = tpu.memref_squeeze %dma_start3A_155 : memref<1x32x1024xf32, #tpu.memory_space<vmem>> -> memref<32x1024xf32, #tpu.memory_space<vmem>>
    %dma_start3A_157 = arith.constant 0 : i32
    %dma_start3A_158 = tpu.memref_slice %arg4[%select_n3A, %add3A_151, %dma_start3A_157] : memref<2x4096x1024xf32, #tpu.memory_space<hbm>> -> memref<1x32x1024xf32, #tpu.memory_space<hbm>>
    %dma_start3A_159 = tpu.memref_squeeze %dma_start3A_158 : memref<1x32x1024xf32, #tpu.memory_space<hbm>> -> memref<32x1024xf32, #tpu.memory_space<hbm>>
    %dma_start3A_160 = arith.constant 0 : i32
    %dma_start3A_161 = tpu.memref_slice %arg4[%select_n3A, %add3A_151, %dma_start3A_160] : memref<2x4096x1024xf32, #tpu.memory_space<hbm>> -> memref<1x32x1024xf32, #tpu.memory_space<hbm>>
    %dma_start3A_162 = tpu.memref_squeeze %dma_start3A_161 : memref<1x32x1024xf32, #tpu.memory_space<hbm>> -> memref<32x1024xf32, #tpu.memory_space<hbm>>
    %dma_start3A_163 = arith.constant 0 : i32
    %dma_start3A_164 = arith.constant 0 : i32
    %dma_start3A_165 = tpu.memref_slice %arg6[%dma_start3A_152, %dma_start3A_163, %dma_start3A_164] : memref<3x32x1024xf32, #tpu.memory_space<vmem>> -> memref<1x32x1024xf32, #tpu.memory_space<vmem>>
    %dma_start3A_166 = tpu.memref_squeeze %dma_start3A_165 : memref<1x32x1024xf32, #tpu.memory_space<vmem>> -> memref<32x1024xf32, #tpu.memory_space<vmem>>
    tpu.enqueue_dma source(%dma_start3A_166 : memref<32x1024xf32, #tpu.memory_space<vmem>>) target(%dma_start3A_162 : memref<32x1024xf32, #tpu.memory_space<hbm>>) target_semaphore(%arg8 : memref<!tpu.dma_semaphore, #tpu.memory_space<semaphore_mem>>)
    %dma_wait3A_167 = arith.constant 1 : i32
    %dma_wait3A_168 = arith.constant 0 : i32
    %dma_wait3A_169 = arith.constant 0 : i32
    %dma_wait3A_170 = tpu.memref_slice %arg6[%dma_wait3A_167, %dma_wait3A_168, %dma_wait3A_169] : memref<3x32x1024xf32, #tpu.memory_space<vmem>> -> memref<1x32x1024xf32, #tpu.memory_space<vmem>>
    %dma_wait3A_171 = tpu.memref_squeeze %dma_wait3A_170 : memref<1x32x1024xf32, #tpu.memory_space<vmem>> -> memref<32x1024xf32, #tpu.memory_space<vmem>>
    %dma_wait3A_172 = arith.constant 0 : i32
    %dma_wait3A_173 = tpu.memref_slice %arg4[%select_n3A, %add3A_99, %dma_wait3A_172] : memref<2x4096x1024xf32, #tpu.memory_space<hbm>> -> memref<1x32x1024xf32, #tpu.memory_space<hbm>>
    %dma_wait3A_174 = tpu.memref_squeeze %dma_wait3A_173 : memref<1x32x1024xf32, #tpu.memory_space<hbm>> -> memref<32x1024xf32, #tpu.memory_space<hbm>>
    %dma_wait3A_175 = arith.constant 0 : i32
    %dma_wait3A_176 = tpu.memref_slice %arg4[%select_n3A, %add3A_99, %dma_wait3A_175] : memref<2x4096x1024xf32, #tpu.memory_space<hbm>> -> memref<1x32x1024xf32, #tpu.memory_space<hbm>>
    %dma_wait3A_177 = tpu.memref_squeeze %dma_wait3A_176 : memref<1x32x1024xf32, #tpu.memory_space<hbm>> -> memref<32x1024xf32, #tpu.memory_space<hbm>>
    %dma_wait3A_178 = arith.constant 0 : i32
    %dma_wait3A_179 = arith.constant 0 : i32
    %dma_wait3A_180 = tpu.memref_slice %arg6[%dma_wait3A_167, %dma_wait3A_178, %dma_wait3A_179] : memref<3x32x1024xf32, #tpu.memory_space<vmem>> -> memref<1x32x1024xf32, #tpu.memory_space<vmem>>
    %dma_wait3A_181 = tpu.memref_squeeze %dma_wait3A_180 : memref<1x32x1024xf32, #tpu.memory_space<vmem>> -> memref<32x1024xf32, #tpu.memory_space<vmem>>
    tpu.wait_dma2 semaphore(%arg8 : memref<!tpu.dma_semaphore, #tpu.memory_space<semaphore_mem>>) src(%dma_wait3A_181 : memref<32x1024xf32, #tpu.memory_space<vmem>>) dst(%dma_wait3A_177 : memref<32x1024xf32, #tpu.memory_space<hbm>>)
    %dma_start3A_182 = arith.constant 1 : i32
    %dma_start3A_183 = arith.constant 0 : i32
    %dma_start3A_184 = arith.constant 0 : i32
    %dma_start3A_185 = tpu.memref_slice %arg6[%dma_start3A_182, %dma_start3A_183, %dma_start3A_184] : memref<3x32x1024xf32, #tpu.memory_space<vmem>> -> memref<1x32x1024xf32, #tpu.memory_space<vmem>>
    %dma_start3A_186 = tpu.memref_squeeze %dma_start3A_185 : memref<1x32x1024xf32, #tpu.memory_space<vmem>> -> memref<32x1024xf32, #tpu.memory_space<vmem>>
    %dma_start3A_187 = arith.constant 128 : i32
    %dma_start3A_188 = tpu.memref_slice %arg5[%dma_start3A_187] : memref<256xi32, #tpu.memory_space<vmem>> -> memref<32xi32, #tpu.memory_space<vmem>>
    %dma_start3A_189 = arith.constant 0 : i32
    %dma_start3A_190 = arith.constant 0 : i32
    %dma_start3A_191 = tpu.memref_slice %arg3[%dma_start3A_189, %dma_start3A_190] : memref<151936x1024xf32, #tpu.memory_space<hbm>> -> memref<151936x1024xf32, #tpu.memory_space<hbm>>
    tpu.enqueue_indirect_dma source(%dma_start3A_191 : memref<151936x1024xf32, #tpu.memory_space<hbm>>) target(%dma_start3A_186 : memref<32x1024xf32, #tpu.memory_space<vmem>>) offsets(%dma_start3A_188 : memref<32xi32, #tpu.memory_space<vmem>>) semaphore(%arg7 : memref<!tpu.dma_semaphore, #tpu.memory_space<semaphore_mem>>)
    %dma_wait3A_192 = arith.constant 0 : i32
    %dma_wait3A_193 = arith.constant 0 : i32
    %dma_wait3A_194 = arith.constant 0 : i32
    %dma_wait3A_195 = tpu.memref_slice %arg6[%dma_wait3A_192, %dma_wait3A_193, %dma_wait3A_194] : memref<3x32x1024xf32, #tpu.memory_space<vmem>> -> memref<1x32x1024xf32, #tpu.memory_space<vmem>>
    %dma_wait3A_196 = tpu.memref_squeeze %dma_wait3A_195 : memref<1x32x1024xf32, #tpu.memory_space<vmem>> -> memref<32x1024xf32, #tpu.memory_space<vmem>>
    %dma_wait3A_197 = arith.constant 96 : i32
    %dma_wait3A_198 = tpu.memref_slice %arg5[%dma_wait3A_197] : memref<256xi32, #tpu.memory_space<vmem>> -> memref<32xi32, #tpu.memory_space<vmem>>
    %dma_wait3A_199 = arith.constant 0 : i32
    %dma_wait3A_200 = arith.constant 0 : i32
    %dma_wait3A_201 = tpu.memref_slice %arg3[%dma_wait3A_199, %dma_wait3A_200] : memref<151936x1024xf32, #tpu.memory_space<hbm>> -> memref<151936x1024xf32, #tpu.memory_space<hbm>>
    tpu.wait_indirect_dma semaphore(%arg7 : memref<!tpu.dma_semaphore, #tpu.memory_space<semaphore_mem>>) src(%dma_wait3A_201 : memref<151936x1024xf32, #tpu.memory_space<hbm>>) dst(%dma_wait3A_196 : memref<32x1024xf32, #tpu.memory_space<vmem>>)
    %add3A_202 = arith.constant 96 : i32
    %add3A_203 = arith.addi %mul3A_32, %add3A_202 : i32
    %dma_start3A_204 = arith.constant 0 : i32
    %dma_start3A_205 = arith.constant 0 : i32
    %dma_start3A_206 = arith.constant 0 : i32
    %dma_start3A_207 = tpu.memref_slice %arg6[%dma_start3A_204, %dma_start3A_205, %dma_start3A_206] : memref<3x32x1024xf32, #tpu.memory_space<vmem>> -> memref<1x32x1024xf32, #tpu.memory_space<vmem>>
    %dma_start3A_208 = tpu.memref_squeeze %dma_start3A_207 : memref<1x32x1024xf32, #tpu.memory_space<vmem>> -> memref<32x1024xf32, #tpu.memory_space<vmem>>
    %dma_start3A_209 = arith.constant 0 : i32
    %dma_start3A_210 = tpu.memref_slice %arg4[%select_n3A, %add3A_203, %dma_start3A_209] : memref<2x4096x1024xf32, #tpu.memory_space<hbm>> -> memref<1x32x1024xf32, #tpu.memory_space<hbm>>
    %dma_start3A_211 = tpu.memref_squeeze %dma_start3A_210 : memref<1x32x1024xf32, #tpu.memory_space<hbm>> -> memref<32x1024xf32, #tpu.memory_space<hbm>>
    %dma_start3A_212 = arith.constant 0 : i32
    %dma_start3A_213 = tpu.memref_slice %arg4[%select_n3A, %add3A_203, %dma_start3A_212] : memref<2x4096x1024xf32, #tpu.memory_space<hbm>> -> memref<1x32x1024xf32, #tpu.memory_space<hbm>>
    %dma_start3A_214 = tpu.memref_squeeze %dma_start3A_213 : memref<1x32x1024xf32, #tpu.memory_space<hbm>> -> memref<32x1024xf32, #tpu.memory_space<hbm>>
    %dma_start3A_215 = arith.constant 0 : i32
    %dma_start3A_216 = arith.constant 0 : i32
    %dma_start3A_217 = tpu.memref_slice %arg6[%dma_start3A_204, %dma_start3A_215, %dma_start3A_216] : memref<3x32x1024xf32, #tpu.memory_space<vmem>> -> memref<1x32x1024xf32, #tpu.memory_space<vmem>>
    %dma_start3A_218 = tpu.memref_squeeze %dma_start3A_217 : memref<1x32x1024xf32, #tpu.memory_space<vmem>> -> memref<32x1024xf32, #tpu.memory_space<vmem>>
    tpu.enqueue_dma source(%dma_start3A_218 : memref<32x1024xf32, #tpu.memory_space<vmem>>) target(%dma_start3A_214 : memref<32x1024xf32, #tpu.memory_space<hbm>>) target_semaphore(%arg8 : memref<!tpu.dma_semaphore, #tpu.memory_space<semaphore_mem>>)
    %dma_wait3A_219 = arith.constant 2 : i32
    %dma_wait3A_220 = arith.constant 0 : i32
    %dma_wait3A_221 = arith.constant 0 : i32
    %dma_wait3A_222 = tpu.memref_slice %arg6[%dma_wait3A_219, %dma_wait3A_220, %dma_wait3A_221] : memref<3x32x1024xf32, #tpu.memory_space<vmem>> -> memref<1x32x1024xf32, #tpu.memory_space<vmem>>
    %dma_wait3A_223 = tpu.memref_squeeze %dma_wait3A_222 : memref<1x32x1024xf32, #tpu.memory_space<vmem>> -> memref<32x1024xf32, #tpu.memory_space<vmem>>
    %dma_wait3A_224 = arith.constant 0 : i32
    %dma_wait3A_225 = tpu.memref_slice %arg4[%select_n3A, %add3A_151, %dma_wait3A_224] : memref<2x4096x1024xf32, #tpu.memory_space<hbm>> -> memref<1x32x1024xf32, #tpu.memory_space<hbm>>
    %dma_wait3A_226 = tpu.memref_squeeze %dma_wait3A_225 : memref<1x32x1024xf32, #tpu.memory_space<hbm>> -> memref<32x1024xf32, #tpu.memory_space<hbm>>
    %dma_wait3A_227 = arith.constant 0 : i32
    %dma_wait3A_228 = tpu.memref_slice %arg4[%select_n3A, %add3A_151, %dma_wait3A_227] : memref<2x4096x1024xf32, #tpu.memory_space<hbm>> -> memref<1x32x1024xf32, #tpu.memory_space<hbm>>
    %dma_wait3A_229 = tpu.memref_squeeze %dma_wait3A_228 : memref<1x32x1024xf32, #tpu.memory_space<hbm>> -> memref<32x1024xf32, #tpu.memory_space<hbm>>
    %dma_wait3A_230 = arith.constant 0 : i32
    %dma_wait3A_231 = arith.constant 0 : i32
    %dma_wait3A_232 = tpu.memref_slice %arg6[%dma_wait3A_219, %dma_wait3A_230, %dma_wait3A_231] : memref<3x32x1024xf32, #tpu.memory_space<vmem>> -> memref<1x32x1024xf32, #tpu.memory_space<vmem>>
    %dma_wait3A_233 = tpu.memref_squeeze %dma_wait3A_232 : memref<1x32x1024xf32, #tpu.memory_space<vmem>> -> memref<32x1024xf32, #tpu.memory_space<vmem>>
    tpu.wait_dma2 semaphore(%arg8 : memref<!tpu.dma_semaphore, #tpu.memory_space<semaphore_mem>>) src(%dma_wait3A_233 : memref<32x1024xf32, #tpu.memory_space<vmem>>) dst(%dma_wait3A_229 : memref<32x1024xf32, #tpu.memory_space<hbm>>)
    %dma_start3A_234 = arith.constant 2 : i32
    %dma_start3A_235 = arith.constant 0 : i32
    %dma_start3A_236 = arith.constant 0 : i32
    %dma_start3A_237 = tpu.memref_slice %arg6[%dma_start3A_234, %dma_start3A_235, %dma_start3A_236] : memref<3x32x1024xf32, #tpu.memory_space<vmem>> -> memref<1x32x1024xf32, #tpu.memory_space<vmem>>
    %dma_start3A_238 = tpu.memref_squeeze %dma_start3A_237 : memref<1x32x1024xf32, #tpu.memory_space<vmem>> -> memref<32x1024xf32, #tpu.memory_space<vmem>>
    %dma_start3A_239 = arith.constant 160 : i32
    %dma_start3A_240 = tpu.memref_slice %arg5[%dma_start3A_239] : memref<256xi32, #tpu.memory_space<vmem>> -> memref<32xi32, #tpu.memory_space<vmem>>
    %dma_start3A_241 = arith.constant 0 : i32
    %dma_start3A_242 = arith.constant 0 : i32
    %dma_start3A_243 = tpu.memref_slice %arg3[%dma_start3A_241, %dma_start3A_242] : memref<151936x1024xf32, #tpu.memory_space<hbm>> -> memref<151936x1024xf32, #tpu.memory_space<hbm>>
    tpu.enqueue_indirect_dma source(%dma_start3A_243 : memref<151936x1024xf32, #tpu.memory_space<hbm>>) target(%dma_start3A_238 : memref<32x1024xf32, #tpu.memory_space<vmem>>) offsets(%dma_start3A_240 : memref<32xi32, #tpu.memory_space<vmem>>) semaphore(%arg7 : memref<!tpu.dma_semaphore, #tpu.memory_space<semaphore_mem>>)
    %dma_wait3A_244 = arith.constant 1 : i32
    %dma_wait3A_245 = arith.constant 0 : i32
    %dma_wait3A_246 = arith.constant 0 : i32
    %dma_wait3A_247 = tpu.memref_slice %arg6[%dma_wait3A_244, %dma_wait3A_245, %dma_wait3A_246] : memref<3x32x1024xf32, #tpu.memory_space<vmem>> -> memref<1x32x1024xf32, #tpu.memory_space<vmem>>
    %dma_wait3A_248 = tpu.memref_squeeze %dma_wait3A_247 : memref<1x32x1024xf32, #tpu.memory_space<vmem>> -> memref<32x1024xf32, #tpu.memory_space<vmem>>
    %dma_wait3A_249 = arith.constant 128 : i32
    %dma_wait3A_250 = tpu.memref_slice %arg5[%dma_wait3A_249] : memref<256xi32, #tpu.memory_space<vmem>> -> memref<32xi32, #tpu.memory_space<vmem>>
    %dma_wait3A_251 = arith.constant 0 : i32
    %dma_wait3A_252 = arith.constant 0 : i32
    %dma_wait3A_253 = tpu.memref_slice %arg3[%dma_wait3A_251, %dma_wait3A_252] : memref<151936x1024xf32, #tpu.memory_space<hbm>> -> memref<151936x1024xf32, #tpu.memory_space<hbm>>
    tpu.wait_indirect_dma semaphore(%arg7 : memref<!tpu.dma_semaphore, #tpu.memory_space<semaphore_mem>>) src(%dma_wait3A_253 : memref<151936x1024xf32, #tpu.memory_space<hbm>>) dst(%dma_wait3A_248 : memref<32x1024xf32, #tpu.memory_space<vmem>>)
    %add3A_254 = arith.constant 128 : i32
    %add3A_255 = arith.addi %mul3A_32, %add3A_254 : i32
    %dma_start3A_256 = arith.constant 1 : i32
    %dma_start3A_257 = arith.constant 0 : i32
    %dma_start3A_258 = arith.constant 0 : i32
    %dma_start3A_259 = tpu.memref_slice %arg6[%dma_start3A_256, %dma_start3A_257, %dma_start3A_258] : memref<3x32x1024xf32, #tpu.memory_space<vmem>> -> memref<1x32x1024xf32, #tpu.memory_space<vmem>>
    %dma_start3A_260 = tpu.memref_squeeze %dma_start3A_259 : memref<1x32x1024xf32, #tpu.memory_space<vmem>> -> memref<32x1024xf32, #tpu.memory_space<vmem>>
    %dma_start3A_261 = arith.constant 0 : i32
    %dma_start3A_262 = tpu.memref_slice %arg4[%select_n3A, %add3A_255, %dma_start3A_261] : memref<2x4096x1024xf32, #tpu.memory_space<hbm>> -> memref<1x32x1024xf32, #tpu.memory_space<hbm>>
    %dma_start3A_263 = tpu.memref_squeeze %dma_start3A_262 : memref<1x32x1024xf32, #tpu.memory_space<hbm>> -> memref<32x1024xf32, #tpu.memory_space<hbm>>
    %dma_start3A_264 = arith.constant 0 : i32
    %dma_start3A_265 = tpu.memref_slice %arg4[%select_n3A, %add3A_255, %dma_start3A_264] : memref<2x4096x1024xf32, #tpu.memory_space<hbm>> -> memref<1x32x1024xf32, #tpu.memory_space<hbm>>
    %dma_start3A_266 = tpu.memref_squeeze %dma_start3A_265 : memref<1x32x1024xf32, #tpu.memory_space<hbm>> -> memref<32x1024xf32, #tpu.memory_space<hbm>>
    %dma_start3A_267 = arith.constant 0 : i32
    %dma_start3A_268 = arith.constant 0 : i32
    %dma_start3A_269 = tpu.memref_slice %arg6[%dma_start3A_256, %dma_start3A_267, %dma_start3A_268] : memref<3x32x1024xf32, #tpu.memory_space<vmem>> -> memref<1x32x1024xf32, #tpu.memory_space<vmem>>
    %dma_start3A_270 = tpu.memref_squeeze %dma_start3A_269 : memref<1x32x1024xf32, #tpu.memory_space<vmem>> -> memref<32x1024xf32, #tpu.memory_space<vmem>>
    tpu.enqueue_dma source(%dma_start3A_270 : memref<32x1024xf32, #tpu.memory_space<vmem>>) target(%dma_start3A_266 : memref<32x1024xf32, #tpu.memory_space<hbm>>) target_semaphore(%arg8 : memref<!tpu.dma_semaphore, #tpu.memory_space<semaphore_mem>>)
    %dma_wait3A_271 = arith.constant 0 : i32
    %dma_wait3A_272 = arith.constant 0 : i32
    %dma_wait3A_273 = arith.constant 0 : i32
    %dma_wait3A_274 = tpu.memref_slice %arg6[%dma_wait3A_271, %dma_wait3A_272, %dma_wait3A_273] : memref<3x32x1024xf32, #tpu.memory_space<vmem>> -> memref<1x32x1024xf32, #tpu.memory_space<vmem>>
    %dma_wait3A_275 = tpu.memref_squeeze %dma_wait3A_274 : memref<1x32x1024xf32, #tpu.memory_space<vmem>> -> memref<32x1024xf32, #tpu.memory_space<vmem>>
    %dma_wait3A_276 = arith.constant 0 : i32
    %dma_wait3A_277 = tpu.memref_slice %arg4[%select_n3A, %add3A_203, %dma_wait3A_276] : memref<2x4096x1024xf32, #tpu.memory_space<hbm>> -> memref<1x32x1024xf32, #tpu.memory_space<hbm>>
    %dma_wait3A_278 = tpu.memref_squeeze %dma_wait3A_277 : memref<1x32x1024xf32, #tpu.memory_space<hbm>> -> memref<32x1024xf32, #tpu.memory_space<hbm>>
    %dma_wait3A_279 = arith.constant 0 : i32
    %dma_wait3A_280 = tpu.memref_slice %arg4[%select_n3A, %add3A_203, %dma_wait3A_279] : memref<2x4096x1024xf32, #tpu.memory_space<hbm>> -> memref<1x32x1024xf32, #tpu.memory_space<hbm>>
    %dma_wait3A_281 = tpu.memref_squeeze %dma_wait3A_280 : memref<1x32x1024xf32, #tpu.memory_space<hbm>> -> memref<32x1024xf32, #tpu.memory_space<hbm>>
    %dma_wait3A_282 = arith.constant 0 : i32
    %dma_wait3A_283 = arith.constant 0 : i32
    %dma_wait3A_284 = tpu.memref_slice %arg6[%dma_wait3A_271, %dma_wait3A_282, %dma_wait3A_283] : memref<3x32x1024xf32, #tpu.memory_space<vmem>> -> memref<1x32x1024xf32, #tpu.memory_space<vmem>>
    %dma_wait3A_285 = tpu.memref_squeeze %dma_wait3A_284 : memref<1x32x1024xf32, #tpu.memory_space<vmem>> -> memref<32x1024xf32, #tpu.memory_space<vmem>>
    tpu.wait_dma2 semaphore(%arg8 : memref<!tpu.dma_semaphore, #tpu.memory_space<semaphore_mem>>) src(%dma_wait3A_285 : memref<32x1024xf32, #tpu.memory_space<vmem>>) dst(%dma_wait3A_281 : memref<32x1024xf32, #tpu.memory_space<hbm>>)
    %dma_start3A_286 = arith.constant 0 : i32
    %dma_start3A_287 = arith.constant 0 : i32
    %dma_start3A_288 = arith.constant 0 : i32
    %dma_start3A_289 = tpu.memref_slice %arg6[%dma_start3A_286, %dma_start3A_287, %dma_start3A_288] : memref<3x32x1024xf32, #tpu.memory_space<vmem>> -> memref<1x32x1024xf32, #tpu.memory_space<vmem>>
    %dma_start3A_290 = tpu.memref_squeeze %dma_start3A_289 : memref<1x32x1024xf32, #tpu.memory_space<vmem>> -> memref<32x1024xf32, #tpu.memory_space<vmem>>
    %dma_start3A_291 = arith.constant 192 : i32
    %dma_start3A_292 = tpu.memref_slice %arg5[%dma_start3A_291] : memref<256xi32, #tpu.memory_space<vmem>> -> memref<32xi32, #tpu.memory_space<vmem>>
    %dma_start3A_293 = arith.constant 0 : i32
    %dma_start3A_294 = arith.constant 0 : i32
    %dma_start3A_295 = tpu.memref_slice %arg3[%dma_start3A_293, %dma_start3A_294] : memref<151936x1024xf32, #tpu.memory_space<hbm>> -> memref<151936x1024xf32, #tpu.memory_space<hbm>>
    tpu.enqueue_indirect_dma source(%dma_start3A_295 : memref<151936x1024xf32, #tpu.memory_space<hbm>>) target(%dma_start3A_290 : memref<32x1024xf32, #tpu.memory_space<vmem>>) offsets(%dma_start3A_292 : memref<32xi32, #tpu.memory_space<vmem>>) semaphore(%arg7 : memref<!tpu.dma_semaphore, #tpu.memory_space<semaphore_mem>>)
    %dma_wait3A_296 = arith.constant 2 : i32
    %dma_wait3A_297 = arith.constant 0 : i32
    %dma_wait3A_298 = arith.constant 0 : i32
    %dma_wait3A_299 = tpu.memref_slice %arg6[%dma_wait3A_296, %dma_wait3A_297, %dma_wait3A_298] : memref<3x32x1024xf32, #tpu.memory_space<vmem>> -> memref<1x32x1024xf32, #tpu.memory_space<vmem>>
    %dma_wait3A_300 = tpu.memref_squeeze %dma_wait3A_299 : memref<1x32x1024xf32, #tpu.memory_space<vmem>> -> memref<32x1024xf32, #tpu.memory_space<vmem>>
    %dma_wait3A_301 = arith.constant 160 : i32
    %dma_wait3A_302 = tpu.memref_slice %arg5[%dma_wait3A_301] : memref<256xi32, #tpu.memory_space<vmem>> -> memref<32xi32, #tpu.memory_space<vmem>>
    %dma_wait3A_303 = arith.constant 0 : i32
    %dma_wait3A_304 = arith.constant 0 : i32
    %dma_wait3A_305 = tpu.memref_slice %arg3[%dma_wait3A_303, %dma_wait3A_304] : memref<151936x1024xf32, #tpu.memory_space<hbm>> -> memref<151936x1024xf32, #tpu.memory_space<hbm>>
    tpu.wait_indirect_dma semaphore(%arg7 : memref<!tpu.dma_semaphore, #tpu.memory_space<semaphore_mem>>) src(%dma_wait3A_305 : memref<151936x1024xf32, #tpu.memory_space<hbm>>) dst(%dma_wait3A_300 : memref<32x1024xf32, #tpu.memory_space<vmem>>)
    %add3A_306 = arith.constant 160 : i32
    %add3A_307 = arith.addi %mul3A_32, %add3A_306 : i32
    %dma_start3A_308 = arith.constant 2 : i32
    %dma_start3A_309 = arith.constant 0 : i32
    %dma_start3A_310 = arith.constant 0 : i32
    %dma_start3A_311 = tpu.memref_slice %arg6[%dma_start3A_308, %dma_start3A_309, %dma_start3A_310] : memref<3x32x1024xf32, #tpu.memory_space<vmem>> -> memref<1x32x1024xf32, #tpu.memory_space<vmem>>
    %dma_start3A_312 = tpu.memref_squeeze %dma_start3A_311 : memref<1x32x1024xf32, #tpu.memory_space<vmem>> -> memref<32x1024xf32, #tpu.memory_space<vmem>>
    %dma_start3A_313 = arith.constant 0 : i32
    %dma_start3A_314 = tpu.memref_slice %arg4[%select_n3A, %add3A_307, %dma_start3A_313] : memref<2x4096x1024xf32, #tpu.memory_space<hbm>> -> memref<1x32x1024xf32, #tpu.memory_space<hbm>>
    %dma_start3A_315 = tpu.memref_squeeze %dma_start3A_314 : memref<1x32x1024xf32, #tpu.memory_space<hbm>> -> memref<32x1024xf32, #tpu.memory_space<hbm>>
    %dma_start3A_316 = arith.constant 0 : i32
    %dma_start3A_317 = tpu.memref_slice %arg4[%select_n3A, %add3A_307, %dma_start3A_316] : memref<2x4096x1024xf32, #tpu.memory_space<hbm>> -> memref<1x32x1024xf32, #tpu.memory_space<hbm>>
    %dma_start3A_318 = tpu.memref_squeeze %dma_start3A_317 : memref<1x32x1024xf32, #tpu.memory_space<hbm>> -> memref<32x1024xf32, #tpu.memory_space<hbm>>
    %dma_start3A_319 = arith.constant 0 : i32
    %dma_start3A_320 = arith.constant 0 : i32
    %dma_start3A_321 = tpu.memref_slice %arg6[%dma_start3A_308, %dma_start3A_319, %dma_start3A_320] : memref<3x32x1024xf32, #tpu.memory_space<vmem>> -> memref<1x32x1024xf32, #tpu.memory_space<vmem>>
    %dma_start3A_322 = tpu.memref_squeeze %dma_start3A_321 : memref<1x32x1024xf32, #tpu.memory_space<vmem>> -> memref<32x1024xf32, #tpu.memory_space<vmem>>
    tpu.enqueue_dma source(%dma_start3A_322 : memref<32x1024xf32, #tpu.memory_space<vmem>>) target(%dma_start3A_318 : memref<32x1024xf32, #tpu.memory_space<hbm>>) target_semaphore(%arg8 : memref<!tpu.dma_semaphore, #tpu.memory_space<semaphore_mem>>)
    %dma_wait3A_323 = arith.constant 1 : i32
    %dma_wait3A_324 = arith.constant 0 : i32
    %dma_wait3A_325 = arith.constant 0 : i32
    %dma_wait3A_326 = tpu.memref_slice %arg6[%dma_wait3A_323, %dma_wait3A_324, %dma_wait3A_325] : memref<3x32x1024xf32, #tpu.memory_space<vmem>> -> memref<1x32x1024xf32, #tpu.memory_space<vmem>>
    %dma_wait3A_327 = tpu.memref_squeeze %dma_wait3A_326 : memref<1x32x1024xf32, #tpu.memory_space<vmem>> -> memref<32x1024xf32, #tpu.memory_space<vmem>>
    %dma_wait3A_328 = arith.constant 0 : i32
    %dma_wait3A_329 = tpu.memref_slice %arg4[%select_n3A, %add3A_255, %dma_wait3A_328] : memref<2x4096x1024xf32, #tpu.memory_space<hbm>> -> memref<1x32x1024xf32, #tpu.memory_space<hbm>>
    %dma_wait3A_330 = tpu.memref_squeeze %dma_wait3A_329 : memref<1x32x1024xf32, #tpu.memory_space<hbm>> -> memref<32x1024xf32, #tpu.memory_space<hbm>>
    %dma_wait3A_331 = arith.constant 0 : i32
    %dma_wait3A_332 = tpu.memref_slice %arg4[%select_n3A, %add3A_255, %dma_wait3A_331] : memref<2x4096x1024xf32, #tpu.memory_space<hbm>> -> memref<1x32x1024xf32, #tpu.memory_space<hbm>>
    %dma_wait3A_333 = tpu.memref_squeeze %dma_wait3A_332 : memref<1x32x1024xf32, #tpu.memory_space<hbm>> -> memref<32x1024xf32, #tpu.memory_space<hbm>>
    %dma_wait3A_334 = arith.constant 0 : i32
    %dma_wait3A_335 = arith.constant 0 : i32
    %dma_wait3A_336 = tpu.memref_slice %arg6[%dma_wait3A_323, %dma_wait3A_334, %dma_wait3A_335] : memref<3x32x1024xf32, #tpu.memory_space<vmem>> -> memref<1x32x1024xf32, #tpu.memory_space<vmem>>
    %dma_wait3A_337 = tpu.memref_squeeze %dma_wait3A_336 : memref<1x32x1024xf32, #tpu.memory_space<vmem>> -> memref<32x1024xf32, #tpu.memory_space<vmem>>
    tpu.wait_dma2 semaphore(%arg8 : memref<!tpu.dma_semaphore, #tpu.memory_space<semaphore_mem>>) src(%dma_wait3A_337 : memref<32x1024xf32, #tpu.memory_space<vmem>>) dst(%dma_wait3A_333 : memref<32x1024xf32, #tpu.memory_space<hbm>>)
    %dma_start3A_338 = arith.constant 1 : i32
    %dma_start3A_339 = arith.constant 0 : i32
    %dma_start3A_340 = arith.constant 0 : i32
    %dma_start3A_341 = tpu.memref_slice %arg6[%dma_start3A_338, %dma_start3A_339, %dma_start3A_340] : memref<3x32x1024xf32, #tpu.memory_space<vmem>> -> memref<1x32x1024xf32, #tpu.memory_space<vmem>>
    %dma_start3A_342 = tpu.memref_squeeze %dma_start3A_341 : memref<1x32x1024xf32, #tpu.memory_space<vmem>> -> memref<32x1024xf32, #tpu.memory_space<vmem>>
    %dma_start3A_343 = arith.constant 224 : i32
    %dma_start3A_344 = tpu.memref_slice %arg5[%dma_start3A_343] : memref<256xi32, #tpu.memory_space<vmem>> -> memref<32xi32, #tpu.memory_space<vmem>>
    %dma_start3A_345 = arith.constant 0 : i32
    %dma_start3A_346 = arith.constant 0 : i32
    %dma_start3A_347 = tpu.memref_slice %arg3[%dma_start3A_345, %dma_start3A_346] : memref<151936x1024xf32, #tpu.memory_space<hbm>> -> memref<151936x1024xf32, #tpu.memory_space<hbm>>
    tpu.enqueue_indirect_dma source(%dma_start3A_347 : memref<151936x1024xf32, #tpu.memory_space<hbm>>) target(%dma_start3A_342 : memref<32x1024xf32, #tpu.memory_space<vmem>>) offsets(%dma_start3A_344 : memref<32xi32, #tpu.memory_space<vmem>>) semaphore(%arg7 : memref<!tpu.dma_semaphore, #tpu.memory_space<semaphore_mem>>)
    %dma_wait3A_348 = arith.constant 0 : i32
    %dma_wait3A_349 = arith.constant 0 : i32
    %dma_wait3A_350 = arith.constant 0 : i32
    %dma_wait3A_351 = tpu.memref_slice %arg6[%dma_wait3A_348, %dma_wait3A_349, %dma_wait3A_350] : memref<3x32x1024xf32, #tpu.memory_space<vmem>> -> memref<1x32x1024xf32, #tpu.memory_space<vmem>>
    %dma_wait3A_352 = tpu.memref_squeeze %dma_wait3A_351 : memref<1x32x1024xf32, #tpu.memory_space<vmem>> -> memref<32x1024xf32, #tpu.memory_space<vmem>>
    %dma_wait3A_353 = arith.constant 192 : i32
    %dma_wait3A_354 = tpu.memref_slice %arg5[%dma_wait3A_353] : memref<256xi32, #tpu.memory_space<vmem>> -> memref<32xi32, #tpu.memory_space<vmem>>
    %dma_wait3A_355 = arith.constant 0 : i32
    %dma_wait3A_356 = arith.constant 0 : i32
    %dma_wait3A_357 = tpu.memref_slice %arg3[%dma_wait3A_355, %dma_wait3A_356] : memref<151936x1024xf32, #tpu.memory_space<hbm>> -> memref<151936x1024xf32, #tpu.memory_space<hbm>>
    tpu.wait_indirect_dma semaphore(%arg7 : memref<!tpu.dma_semaphore, #tpu.memory_space<semaphore_mem>>) src(%dma_wait3A_357 : memref<151936x1024xf32, #tpu.memory_space<hbm>>) dst(%dma_wait3A_352 : memref<32x1024xf32, #tpu.memory_space<vmem>>)
    %add3A_358 = arith.constant 192 : i32
    %add3A_359 = arith.addi %mul3A_32, %add3A_358 : i32
    %dma_start3A_360 = arith.constant 0 : i32
    %dma_start3A_361 = arith.constant 0 : i32
    %dma_start3A_362 = arith.constant 0 : i32
    %dma_start3A_363 = tpu.memref_slice %arg6[%dma_start3A_360, %dma_start3A_361, %dma_start3A_362] : memref<3x32x1024xf32, #tpu.memory_space<vmem>> -> memref<1x32x1024xf32, #tpu.memory_space<vmem>>
    %dma_start3A_364 = tpu.memref_squeeze %dma_start3A_363 : memref<1x32x1024xf32, #tpu.memory_space<vmem>> -> memref<32x1024xf32, #tpu.memory_space<vmem>>
    %dma_start3A_365 = arith.constant 0 : i32
    %dma_start3A_366 = tpu.memref_slice %arg4[%select_n3A, %add3A_359, %dma_start3A_365] : memref<2x4096x1024xf32, #tpu.memory_space<hbm>> -> memref<1x32x1024xf32, #tpu.memory_space<hbm>>
    %dma_start3A_367 = tpu.memref_squeeze %dma_start3A_366 : memref<1x32x1024xf32, #tpu.memory_space<hbm>> -> memref<32x1024xf32, #tpu.memory_space<hbm>>
    %dma_start3A_368 = arith.constant 0 : i32
    %dma_start3A_369 = tpu.memref_slice %arg4[%select_n3A, %add3A_359, %dma_start3A_368] : memref<2x4096x1024xf32, #tpu.memory_space<hbm>> -> memref<1x32x1024xf32, #tpu.memory_space<hbm>>
    %dma_start3A_370 = tpu.memref_squeeze %dma_start3A_369 : memref<1x32x1024xf32, #tpu.memory_space<hbm>> -> memref<32x1024xf32, #tpu.memory_space<hbm>>
    %dma_start3A_371 = arith.constant 0 : i32
    %dma_start3A_372 = arith.constant 0 : i32
    %dma_start3A_373 = tpu.memref_slice %arg6[%dma_start3A_360, %dma_start3A_371, %dma_start3A_372] : memref<3x32x1024xf32, #tpu.memory_space<vmem>> -> memref<1x32x1024xf32, #tpu.memory_space<vmem>>
    %dma_start3A_374 = tpu.memref_squeeze %dma_start3A_373 : memref<1x32x1024xf32, #tpu.memory_space<vmem>> -> memref<32x1024xf32, #tpu.memory_space<vmem>>
    tpu.enqueue_dma source(%dma_start3A_374 : memref<32x1024xf32, #tpu.memory_space<vmem>>) target(%dma_start3A_370 : memref<32x1024xf32, #tpu.memory_space<hbm>>) target_semaphore(%arg8 : memref<!tpu.dma_semaphore, #tpu.memory_space<semaphore_mem>>)
    %dma_wait3A_375 = arith.constant 1 : i32
    %dma_wait3A_376 = arith.constant 0 : i32
    %dma_wait3A_377 = arith.constant 0 : i32
    %dma_wait3A_378 = tpu.memref_slice %arg6[%dma_wait3A_375, %dma_wait3A_376, %dma_wait3A_377] : memref<3x32x1024xf32, #tpu.memory_space<vmem>> -> memref<1x32x1024xf32, #tpu.memory_space<vmem>>
    %dma_wait3A_379 = tpu.memref_squeeze %dma_wait3A_378 : memref<1x32x1024xf32, #tpu.memory_space<vmem>> -> memref<32x1024xf32, #tpu.memory_space<vmem>>
    %dma_wait3A_380 = arith.constant 224 : i32
    %dma_wait3A_381 = tpu.memref_slice %arg5[%dma_wait3A_380] : memref<256xi32, #tpu.memory_space<vmem>> -> memref<32xi32, #tpu.memory_space<vmem>>
    %dma_wait3A_382 = arith.constant 0 : i32
    %dma_wait3A_383 = arith.constant 0 : i32
    %dma_wait3A_384 = tpu.memref_slice %arg3[%dma_wait3A_382, %dma_wait3A_383] : memref<151936x1024xf32, #tpu.memory_space<hbm>> -> memref<151936x1024xf32, #tpu.memory_space<hbm>>
    tpu.wait_indirect_dma semaphore(%arg7 : memref<!tpu.dma_semaphore, #tpu.memory_space<semaphore_mem>>) src(%dma_wait3A_384 : memref<151936x1024xf32, #tpu.memory_space<hbm>>) dst(%dma_wait3A_379 : memref<32x1024xf32, #tpu.memory_space<vmem>>)
    %add3A_385 = arith.constant 224 : i32
    %add3A_386 = arith.addi %mul3A_32, %add3A_385 : i32
    %dma_start3A_387 = arith.constant 1 : i32
    %dma_start3A_388 = arith.constant 0 : i32
    %dma_start3A_389 = arith.constant 0 : i32
    %dma_start3A_390 = tpu.memref_slice %arg6[%dma_start3A_387, %dma_start3A_388, %dma_start3A_389] : memref<3x32x1024xf32, #tpu.memory_space<vmem>> -> memref<1x32x1024xf32, #tpu.memory_space<vmem>>
    %dma_start3A_391 = tpu.memref_squeeze %dma_start3A_390 : memref<1x32x1024xf32, #tpu.memory_space<vmem>> -> memref<32x1024xf32, #tpu.memory_space<vmem>>
    %dma_start3A_392 = arith.constant 0 : i32
    %dma_start3A_393 = tpu.memref_slice %arg4[%select_n3A, %add3A_386, %dma_start3A_392] : memref<2x4096x1024xf32, #tpu.memory_space<hbm>> -> memref<1x32x1024xf32, #tpu.memory_space<hbm>>
    %dma_start3A_394 = tpu.memref_squeeze %dma_start3A_393 : memref<1x32x1024xf32, #tpu.memory_space<hbm>> -> memref<32x1024xf32, #tpu.memory_space<hbm>>
    %dma_start3A_395 = arith.constant 0 : i32
    %dma_start3A_396 = tpu.memref_slice %arg4[%select_n3A, %add3A_386, %dma_start3A_395] : memref<2x4096x1024xf32, #tpu.memory_space<hbm>> -> memref<1x32x1024xf32, #tpu.memory_space<hbm>>
    %dma_start3A_397 = tpu.memref_squeeze %dma_start3A_396 : memref<1x32x1024xf32, #tpu.memory_space<hbm>> -> memref<32x1024xf32, #tpu.memory_space<hbm>>
    %dma_start3A_398 = arith.constant 0 : i32
    %dma_start3A_399 = arith.constant 0 : i32
    %dma_start3A_400 = tpu.memref_slice %arg6[%dma_start3A_387, %dma_start3A_398, %dma_start3A_399] : memref<3x32x1024xf32, #tpu.memory_space<vmem>> -> memref<1x32x1024xf32, #tpu.memory_space<vmem>>
    %dma_start3A_401 = tpu.memref_squeeze %dma_start3A_400 : memref<1x32x1024xf32, #tpu.memory_space<vmem>> -> memref<32x1024xf32, #tpu.memory_space<vmem>>
    tpu.enqueue_dma source(%dma_start3A_401 : memref<32x1024xf32, #tpu.memory_space<vmem>>) target(%dma_start3A_397 : memref<32x1024xf32, #tpu.memory_space<hbm>>) target_semaphore(%arg8 : memref<!tpu.dma_semaphore, #tpu.memory_space<semaphore_mem>>)
    %dma_wait3A_402 = arith.constant 2 : i32
    %dma_wait3A_403 = arith.constant 0 : i32
    %dma_wait3A_404 = arith.constant 0 : i32
    %dma_wait3A_405 = tpu.memref_slice %arg6[%dma_wait3A_402, %dma_wait3A_403, %dma_wait3A_404] : memref<3x32x1024xf32, #tpu.memory_space<vmem>> -> memref<1x32x1024xf32, #tpu.memory_space<vmem>>
    %dma_wait3A_406 = tpu.memref_squeeze %dma_wait3A_405 : memref<1x32x1024xf32, #tpu.memory_space<vmem>> -> memref<32x1024xf32, #tpu.memory_space<vmem>>
    %dma_wait3A_407 = arith.constant 0 : i32
    %dma_wait3A_408 = tpu.memref_slice %arg4[%select_n3A, %add3A_307, %dma_wait3A_407] : memref<2x4096x1024xf32, #tpu.memory_space<hbm>> -> memref<1x32x1024xf32, #tpu.memory_space<hbm>>
    %dma_wait3A_409 = tpu.memref_squeeze %dma_wait3A_408 : memref<1x32x1024xf32, #tpu.memory_space<hbm>> -> memref<32x1024xf32, #tpu.memory_space<hbm>>
    %dma_wait3A_410 = arith.constant 0 : i32
    %dma_wait3A_411 = tpu.memref_slice %arg4[%select_n3A, %add3A_307, %dma_wait3A_410] : memref<2x4096x1024xf32, #tpu.memory_space<hbm>> -> memref<1x32x1024xf32, #tpu.memory_space<hbm>>
    %dma_wait3A_412 = tpu.memref_squeeze %dma_wait3A_411 : memref<1x32x1024xf32, #tpu.memory_space<hbm>> -> memref<32x1024xf32, #tpu.memory_space<hbm>>
    %dma_wait3A_413 = arith.constant 0 : i32
    %dma_wait3A_414 = arith.constant 0 : i32
    %dma_wait3A_415 = tpu.memref_slice %arg6[%dma_wait3A_402, %dma_wait3A_413, %dma_wait3A_414] : memref<3x32x1024xf32, #tpu.memory_space<vmem>> -> memref<1x32x1024xf32, #tpu.memory_space<vmem>>
    %dma_wait3A_416 = tpu.memref_squeeze %dma_wait3A_415 : memref<1x32x1024xf32, #tpu.memory_space<vmem>> -> memref<32x1024xf32, #tpu.memory_space<vmem>>
    tpu.wait_dma2 semaphore(%arg8 : memref<!tpu.dma_semaphore, #tpu.memory_space<semaphore_mem>>) src(%dma_wait3A_416 : memref<32x1024xf32, #tpu.memory_space<vmem>>) dst(%dma_wait3A_412 : memref<32x1024xf32, #tpu.memory_space<hbm>>)
    %dma_wait3A_417 = arith.constant 0 : i32
    %dma_wait3A_418 = arith.constant 0 : i32
    %dma_wait3A_419 = arith.constant 0 : i32
    %dma_wait3A_420 = tpu.memref_slice %arg6[%dma_wait3A_417, %dma_wait3A_418, %dma_wait3A_419] : memref<3x32x1024xf32, #tpu.memory_space<vmem>> -> memref<1x32x1024xf32, #tpu.memory_space<vmem>>
    %dma_wait3A_421 = tpu.memref_squeeze %dma_wait3A_420 : memref<1x32x1024xf32, #tpu.memory_space<vmem>> -> memref<32x1024xf32, #tpu.memory_space<vmem>>
    %dma_wait3A_422 = arith.constant 0 : i32
    %dma_wait3A_423 = tpu.memref_slice %arg4[%select_n3A, %add3A_359, %dma_wait3A_422] : memref<2x4096x1024xf32, #tpu.memory_space<hbm>> -> memref<1x32x1024xf32, #tpu.memory_space<hbm>>
    %dma_wait3A_424 = tpu.memref_squeeze %dma_wait3A_423 : memref<1x32x1024xf32, #tpu.memory_space<hbm>> -> memref<32x1024xf32, #tpu.memory_space<hbm>>
    %dma_wait3A_425 = arith.constant 0 : i32
    %dma_wait3A_426 = tpu.memref_slice %arg4[%select_n3A, %add3A_359, %dma_wait3A_425] : memref<2x4096x1024xf32, #tpu.memory_space<hbm>> -> memref<1x32x1024xf32, #tpu.memory_space<hbm>>
    %dma_wait3A_427 = tpu.memref_squeeze %dma_wait3A_426 : memref<1x32x1024xf32, #tpu.memory_space<hbm>> -> memref<32x1024xf32, #tpu.memory_space<hbm>>
    %dma_wait3A_428 = arith.constant 0 : i32
    %dma_wait3A_429 = arith.constant 0 : i32
    %dma_wait3A_430 = tpu.memref_slice %arg6[%dma_wait3A_417, %dma_wait3A_428, %dma_wait3A_429] : memref<3x32x1024xf32, #tpu.memory_space<vmem>> -> memref<1x32x1024xf32, #tpu.memory_space<vmem>>
    %dma_wait3A_431 = tpu.memref_squeeze %dma_wait3A_430 : memref<1x32x1024xf32, #tpu.memory_space<vmem>> -> memref<32x1024xf32, #tpu.memory_space<vmem>>
    tpu.wait_dma2 semaphore(%arg8 : memref<!tpu.dma_semaphore, #tpu.memory_space<semaphore_mem>>) src(%dma_wait3A_431 : memref<32x1024xf32, #tpu.memory_space<vmem>>) dst(%dma_wait3A_427 : memref<32x1024xf32, #tpu.memory_space<hbm>>)
    %dma_wait3A_432 = arith.constant 1 : i32
    %dma_wait3A_433 = arith.constant 0 : i32
    %dma_wait3A_434 = arith.constant 0 : i32
    %dma_wait3A_435 = tpu.memref_slice %arg6[%dma_wait3A_432, %dma_wait3A_433, %dma_wait3A_434] : memref<3x32x1024xf32, #tpu.memory_space<vmem>> -> memref<1x32x1024xf32, #tpu.memory_space<vmem>>
    %dma_wait3A_436 = tpu.memref_squeeze %dma_wait3A_435 : memref<1x32x1024xf32, #tpu.memory_space<vmem>> -> memref<32x1024xf32, #tpu.memory_space<vmem>>
    %dma_wait3A_437 = arith.constant 0 : i32
    %dma_wait3A_438 = tpu.memref_slice %arg4[%select_n3A, %add3A_386, %dma_wait3A_437] : memref<2x4096x1024xf32, #tpu.memory_space<hbm>> -> memref<1x32x1024xf32, #tpu.memory_space<hbm>>
    %dma_wait3A_439 = tpu.memref_squeeze %dma_wait3A_438 : memref<1x32x1024xf32, #tpu.memory_space<hbm>> -> memref<32x1024xf32, #tpu.memory_space<hbm>>
    %dma_wait3A_440 = arith.constant 0 : i32
    %dma_wait3A_441 = tpu.memref_slice %arg4[%select_n3A, %add3A_386, %dma_wait3A_440] : memref<2x4096x1024xf32, #tpu.memory_space<hbm>> -> memref<1x32x1024xf32, #tpu.memory_space<hbm>>
    %dma_wait3A_442 = tpu.memref_squeeze %dma_wait3A_441 : memref<1x32x1024xf32, #tpu.memory_space<hbm>> -> memref<32x1024xf32, #tpu.memory_space<hbm>>
    %dma_wait3A_443 = arith.constant 0 : i32
    %dma_wait3A_444 = arith.constant 0 : i32
    %dma_wait3A_445 = tpu.memref_slice %arg6[%dma_wait3A_432, %dma_wait3A_443, %dma_wait3A_444] : memref<3x32x1024xf32, #tpu.memory_space<vmem>> -> memref<1x32x1024xf32, #tpu.memory_space<vmem>>
    %dma_wait3A_446 = tpu.memref_squeeze %dma_wait3A_445 : memref<1x32x1024xf32, #tpu.memory_space<vmem>> -> memref<32x1024xf32, #tpu.memory_space<vmem>>
    tpu.wait_dma2 semaphore(%arg8 : memref<!tpu.dma_semaphore, #tpu.memory_space<semaphore_mem>>) src(%dma_wait3A_446 : memref<32x1024xf32, #tpu.memory_space<vmem>>) dst(%dma_wait3A_442 : memref<32x1024xf32, #tpu.memory_space<hbm>>)
    return
  }
}

module attributes {stable_mosaic.version = 14 : i64} {
  func.func @_rope_body(%arg0: memref<1x1x64xf32, #tpu.memory_space<vmem>>, %arg1: memref<1x4096x64xf32, #tpu.memory_space<vmem>>, %arg2: memref<1x4096x64xf32, #tpu.memory_space<vmem>>, %arg3: memref<1x4096xi32, #tpu.memory_space<vmem>>) attributes {dimension_semantics = [], scalar_prefetch = 0 : i64, scratch_operands = 0 : i64, tpu.core_type = #tpu.core_type<tc>} {
    %iota3A = tpu.iota {dimensions = array<i32: 1>} : vector<1x4096x64xi32>
    %convert_element_type3A = arith.sitofp %iota3A : vector<1x4096x64xi32> to vector<1x4096x64xf32>
    %get3A = arith.constant 0 : index
    %get3A_0 = arith.constant 0 : index
    %get3A_1 = arith.constant 0 : index
    %get3A_2 = vector.load %arg0[%get3A, %get3A_0, %get3A_1] : memref<1x1x64xf32, #tpu.memory_space<vmem>>, vector<1x1x64xf32>
    %mul3A = vector.broadcast %get3A_2 : vector<1x1x64xf32> to vector<1x4096x64xf32>
    %mul3A_3 = arith.mulf %convert_element_type3A, %mul3A : vector<1x4096x64xf32>
    %cos3A = math.cos %mul3A_3 : vector<1x4096x64xf32>
    %swap3A = arith.constant 0 : index
    %swap3A_4 = arith.constant 0 : index
    %swap3A_5 = arith.constant 0 : index
    %swap3A_6 = vector.load %arg1[%swap3A, %swap3A_4, %swap3A_5] : memref<1x4096x64xf32, #tpu.memory_space<vmem>>, vector<1x4096x64xf32>
    tpu.vector_store %arg1[%swap3A, %swap3A_4, %swap3A_5], %cos3A {strides = array<i32>} : memref<1x4096x64xf32, #tpu.memory_space<vmem>>, vector<1x4096x64xf32>,
    %sin3A = math.sin %mul3A_3 : vector<1x4096x64xf32>
    %swap3A_7 = arith.constant 0 : index
    %swap3A_8 = arith.constant 0 : index
    %swap3A_9 = arith.constant 0 : index
    %swap3A_10 = vector.load %arg2[%swap3A_7, %swap3A_8, %swap3A_9] : memref<1x4096x64xf32, #tpu.memory_space<vmem>>, vector<1x4096x64xf32>
    tpu.vector_store %arg2[%swap3A_7, %swap3A_8, %swap3A_9], %sin3A {strides = array<i32>} : memref<1x4096x64xf32, #tpu.memory_space<vmem>>, vector<1x4096x64xf32>,
    %iota3A_11 = tpu.iota {dimensions = array<i32: 1>} : vector<1x4096xi32>
    %swap3A_12 = arith.constant 0 : index
    %swap3A_13 = arith.constant 0 : index
    %swap3A_14 = vector.load %arg3[%swap3A_12, %swap3A_13] : memref<1x4096xi32, #tpu.memory_space<vmem>>, vector<1x4096xi32>
    tpu.vector_store %arg3[%swap3A_12, %swap3A_13], %iota3A_11 {strides = array<i32>} : memref<1x4096xi32, #tpu.memory_space<vmem>>, vector<1x4096xi32>,
    return
  }
}

</mosaic_0001>

<sc_bundles>
// kernel: kernel.4.cloned.1.call-start
scs
__scs_entry_jumppad:
0x0: {  	(pc) =	sbr.rel $0x88, $3  }
0x1: {  	(tag) =	ssettag $0x0;
	lr =	simm.s32 $0x1  }
0x2: {  	[smem:$0x3F9E] =	sst lr;
	_ =	strace $0xD0000000  }
0x3: {  	_ = 	snop  }
0x4: {  	_ = 	snop  }
0x5: {  	_ = 	snop  }
0x6: {  	_ = 	snop  }
0x7: {  	_ = 	snop  }
__scs_overlays_trampoline_lowered:
0x8: {  	[smem:$0x3FAD] =	sst s0  }
0x9: {  	[smem:$0x3FAE] =	sst s1  }
0xa: {  	[smem:$0x3FAF] =	sst s2  }
0xb: {  	[smem:$0x3FB0] =	sst s3  }
0xc: {  	[smem:$0x3FB1] =	sst s4  }
0xd: {  	[smem:$0x3FB2] =	sst s5  }
0xe: {  	[smem:$0x3FB3] =	sst s6  }
0xf: {  	[smem:$0x3FB4] =	sst s7  }
0x10: {  	[smem:$0x3FB5] =	sst s8  }
0x11: {  	[smem:$0x3FB6] =	sst s9;
	s0 =	simm.s32 @!p0 $0x0  }
0x12: {  	s1 =	sld [smem:$0x3F9C];
	s0 =	simm.s32 @p0 $0x1  }
0x13: {  	[smem:$0x3FB7] =	sst s0;
	s0 =	simm.s32 @!p1 $0x0  }
0x14: {  	s2 =	sld [smem:$0x3F9B];
	s0 =	simm.s32 @p1 $0x1  }
0x15: {  	[smem:$0x3FB8] =	sst s0;
	s0 =	simm.s32 @!p2 $0x0  }
0x16: {  	s3 =	sld [smem:$0x3FDB];
	s0 =	simm.s32 @p2 $0x1  }
0x17: {  	s4 =	simm.s32 $0x1BF5;
	[smem:$0x3FBA] =	sst s0  }
0x18: {  	s0 =	sld [smem:$0x3F9D];
	_ =	swait.ge [sflag:s4], $0x0  }
0x19: {  	s7 =	sld [smem:$0x3F9E]  }
0x1a: {  	s8 =	sadd.s32 $0xFFFFE003, lr  }
0x1b: {  	s9 =	sadd.s32 $0xFFFFFEF7, lr;
	s5 =	simm.s32 $0xFFFFFFFF;
	p2 =	slt.u32 s8, $0xFFFFF086  }
0x1c: {  	p1 =	slt.u32 s9, $0xF7A;
	s5 =	simm.s32 @!p2 $0x0  }
0x1d: {  	s5 =	simm.s32 @p1 $0x1;
	p0 =	seq.s32 s7, s2  }
0x1e: {  	s7 =	smul.u32 @!p0 $0xF7A, s2;
	p2 =	seq.s32 @!p0 s5, $0x0  }
0x1f: {  	s9 =	smul.u32 $0xF7A, s1;
	s8 =	simm.s32 @!p0 $0x1BF5;
	p2 =	por !p2, p0  }
0x20: {  	[sflag:s8] =	ssyncset.s32 @!p0 $0xFFFFF086;
	s6 =	sadd.s32 @!p0 s3, s7;
	s7 =	simm.s32 @!p0 $0x108  }
0x21: {  	s3 =	sadd.s32 s3, s9;
	s6 =	sadd.s32 @!p0 $0x88, s6;
	s7 =	simm.s32 @p2 $0x1082  }
0x22: {  	[simem:s7], [sflag:s8] =	dma.local @!p0 [hbm:s6], $0xF7A  }
0x23: {  	s9 =	sor.u32 $0xD0000000, s2;
	s6 =	simm.s32 $0x108;
	_ =	swait.ge @!p0 [sflag:s8], $0x0  }
0x24: {  	s3 =	sadd.s32 $0x88, s3;
	s6 =	simm.s32 @!p1 $0x1082;
	[sflag:s4] =	ssyncset.s32 $0xFFFFF086  }
0x25: {  	[simem:s6], [sflag:s4] =	dma.local [hbm:s3], $0xF7A  }
0x26: {  	[smem:$0x3F9E] =	sst s1;
	(tag) =	ssettag s2;
	_ =	strace s9  }
0x27: {  	s1 =	sld [smem:$0x3FAE]  }
0x28: {  	s2 =	sld [smem:$0x3FAF]  }
0x29: {  	s4 =	sld [smem:$0x3FB1]  }
0x2a: {  	p0 =	seq.s32 s5, $0x0;
	s5 =	sld [smem:$0x3FB2]  }
0x2b: {  	s6 =	sld [smem:$0x3FB3]  }
0x2c: {  	s7 =	sld [smem:$0x3FB4]  }
0x2d: {  	s3 =	simm.s32 $0x108;
	s8 =	sld [smem:$0x3FB5]  }
0x2e: {  	s3 =	simm.s32 @!p0 $0x1082;
	s9 =	sld [smem:$0x3FB6]  }
0x2f: {  	lr =	sadd.s32 s0, s3;
	s0 =	sld [smem:$0x3FAD]  }
0x30: {  	s3 =	sld [smem:$0x3FB0]  }
0x31: {  	[smem:$0x3FB9] =	sst s10  }
0x32: {  	s10 =	sld [smem:$0x3FB7];
	_ =	sdelay $0x3  }
0x33: {  	p0 =	seq.s32 s10, $0x1;
	s10 =	sld [smem:$0x3FB9];
	_ =	sdelay $0x3  }
0x34: {  	[smem:$0x3FB9] =	sst s10  }
0x35: {  	s10 =	sld [smem:$0x3FB8];
	_ =	sdelay $0x3  }
0x36: {  	p1 =	seq.s32 s10, $0x1;
	s10 =	sld [smem:$0x3FB9];
	_ =	sdelay $0x3  }
0x37: {  	[smem:$0x3FB9] =	sst s10  }
0x38: {  	s10 =	sld [smem:$0x3FBA]  }
0x39: {  	_ = 	snop;
	(pc) =	sbr.ind lr, $3  }
0x3a: {  	_ = 	snop  }
0x3b: {  	_ = 	snop  }
0x3c: {  	p2 =	seq.s32 s10, $0x1;
	s10 =	sld [smem:$0x3FB9]  }
0x3d: {  	_ =	shalt  }
0x3e: {  	_ =	shalt  }
0x3f: {  	_ =	shalt  }
0x40: {  	_ =	shalt  }
0x41: {  	_ =	shalt  }
0x42: {  	_ =	shalt  }
0x43: {  	_ =	shalt  }
0x44: {  	_ =	shalt  }
0x45: {  	_ =	shalt  }
0x46: {  	_ =	shalt  }
0x47: {  	_ =	shalt  }
0x48: {  	_ =	shalt  }
0x49: {  	_ =	shalt  }
0x4a: {  	_ =	shalt  }
0x4b: {  	_ =	shalt  }
0x4c: {  	_ =	shalt  }
0x4d: {  	_ =	shalt  }
0x4e: {  	_ =	shalt  }
0x4f: {  	_ =	shalt  }
0x50: {  	_ =	shalt  }
0x51: {  	_ =	shalt  }
0x52: {  	_ =	shalt  }
0x53: {  	_ =	shalt  }
0x54: {  	_ =	shalt  }
0x55: {  	_ =	shalt  }
0x56: {  	_ =	shalt  }
0x57: {  	_ =	shalt  }
0x58: {  	_ =	shalt  }
0x59: {  	_ =	shalt  }
0x5a: {  	_ =	shalt  }
0x5b: {  	_ =	shalt  }
0x5c: {  	_ =	shalt  }
0x5d: {  	_ =	shalt  }
0x5e: {  	_ =	shalt  }
0x5f: {  	_ =	shalt  }
0x60: {  	_ =	shalt  }
0x61: {  	_ =	shalt  }
0x62: {  	_ =	shalt  }
0x63: {  	_ =	shalt  }
0x64: {  	_ =	shalt  }
0x65: {  	_ =	shalt  }
0x66: {  	_ =	shalt  }
0x67: {  	_ =	shalt  }
0x68: {  	_ =	shalt  }
0x69: {  	_ =	shalt  }
0x6a: {  	_ =	shalt  }
0x6b: {  	_ =	shalt  }
0x6c: {  	_ =	shalt  }
0x6d: {  	_ =	shalt  }
0x6e: {  	_ =	shalt  }
0x6f: {  	_ =	shalt  }
0x70: {  	_ =	shalt  }
0x71: {  	_ =	shalt  }
0x72: {  	_ =	shalt  }
0x73: {  	_ =	shalt  }
0x74: {  	_ =	shalt  }
0x75: {  	_ =	shalt  }
0x76: {  	_ =	shalt  }
0x77: {  	_ =	shalt  }
0x78: {  	_ =	shalt  }
0x79: {  	_ =	shalt  }
0x7a: {  	_ =	shalt  }
0x7b: {  	_ =	shalt  }
0x7c: {  	_ =	shalt  }
0x7d: {  	_ =	shalt  }
0x7e: {  	_ =	shalt  }
0x7f: {  	_ =	shalt  }
0x80: {  	_ =	shalt  }
0x81: {  	_ =	shalt  }
0x82: {  	_ =	shalt  }
0x83: {  	_ =	shalt  }
0x84: {  	_ =	shalt  }
0x85: {  	_ =	shalt  }
0x86: {  	_ =	shalt  }
0x87: {  	_ =	shalt  }
.Lfunc_end0:
.L_simem_size_0:
called_computation_lowered:
.L_overlay_start_0:
0x88: {  	s2 =	sld [smem:$0x3FD9]  }
0x89: {  	s3 =	sld [smem:$0x3FFE];
	_ =	sdelay $0x1  }
0x8a: {  	s1 =	srdreg.scid  }
0x8b: {  	s0 =	sand.u32 $0x1, s1  }
0x8c: {  	s15 =	sshll.u32 s0, $0xA;
	s2 =	sadd.s32 s3, s2  }
0x8d: {  	s2 =	sadd.s32 s2, s15  }
0x8e: {  	[smem:$0x3FC5] =	sst s2  }
0x8f: {  	_ = 	snop  }
0x90: {  	s2 =	sld [smem:$0x3FD0];
	_ =	sdelay $0x1  }
0x91: {  	s16 =	sld [smem:$0x3FC9]  }
0x92: {  	s5 =	simm.s32 $0xA;
	s6 =	simm.s32 $0x10;
	s4 =	sld [smem:$0x3FC7]  }
0x93: {  	[smem:s6], [sflag:s5] =	dma.local [hbm:s2], $0x1  }
0x94: {  	_ =	swait.eq [sflag:s5], $0x1  }
0x95: {  	[sflag:s5] =	ssyncset.done $0x0  }
0x96: {  	[sflag:s5] =	ssyncadd.s32 $0xFFFFFFFF  }
0x97: {  	s17 =	sld [smem:$0x13];
	(tm) =	ssettm $0x1  }
0x98: {  	s18 =	sld [smem:$0x3FFB];
	_ =	sdelay $0x3  }
0x99: {  	_ =	strace s18  }
0x9a: {  	s5 =	sld [smem:$0x3FFC];
	_ =	sdelay $0x3  }
0x9b: {  	_ =	strace s5  }
0x9c: {  	s5 =	sld [smem:$0x3FFD];
	_ =	sdelay $0x3  }
0x9d: {  	_ =	strace s5  }
0x9e: {  	_ =	strace $0x8FFFFFFF  }
0x9f: {  	s19 =	sld [smem:$0x3FDB];
	_ =	sdelay $0x1  }
0xa0: {  	s20 =	simm.s32 $_scs_section_size  }
0xa1: {  	s7 =	simm.s32 $_size__tile_overlayer_lowered;
	s8 =	simm.s32 $_tile_overlayer_lowered  }
0xa2: {  	s23 =	simm.s32 $0x1BFF;
	s22 =	sshll.u32 s8, $0x1;
	s5 =	sadd.s32 s20, s19  }
0xa3: {  	s9 =	simm.s32 $0x0;
	s21 =	sshll.u32 s7, $0x1;
	s7 =	sadd.s32 s22, s5  }
0xa4: {  	[timem:s9], [sflag:s23] =	dma.local [hbm:s7], s21  }
0xa5: {  	_ =	swait.ge [sflag:s23], s21  }
0xa6: {  	s6 =	ssub.s32 $0x0, s21;
	[sflag:s23] =	ssyncset.done $0x0  }
0xa7: {  	[sflag:s23] =	ssyncadd.s32 s6;
	_ =	sdelay $0x1  }
0xa8: {  	s24 =	simm.s32 $0x1B8B  }
0xa9: {  	_ =	swait.ge [sflag:s24], $0x1  }
0xaa: {  	[sflag:s24] =	ssyncset.done $0x0  }
0xab: {  	s25 =	simm.s32 $0x1B8E;
	[sflag:s24] =	ssyncadd.s32 $0xFFFFFFFF  }
0xac: {  	s26 =	simm.s32 $execute0_lowered;
	[smem:$0x3FD2] =	sst s25  }
0xad: {  	s6 =	sshll.u32 s26, $0x1;
	_ =	strace $0x80000046;
	[dreg:$0x1] =	wrdreg $0xFFFFFFFF  }
0xae: {  	s28 =	simm.s32 $_size_execute0_lowered;
	s5 =	sadd.s32 s5, s6;
	[dreg:$0x0] =	wrdreg $0x0  }
0xaf: {  	s6 =	sshll.u32 s28, $0x1;
	[dreg:$0x2] =	wrdreg s5  }
0xb0: {  	[dreg:$0x3] =	wrdreg s6  }
0xb1: {  	[dreg:$0x4] =	wrdreg $0xC0  }
0xb2: {  	_ =	task [dreg:s9], $0x5FFFF  }
0xb3: {  	[dreg:$0x1] =	wrdreg $0xFFFFFFFF  }
0xb4: {  	[dreg:$0x0] =	wrdreg $0x60  }
0xb5: {  	[dreg:$0x2] =	wrdreg s16  }
0xb6: {  	[dreg:$0x3] =	wrdreg s4  }
0xb7: {  	[dreg:$0x4] =	wrdreg s17  }
0xb8: {  	[dreg:$0x5] =	wrdreg $0x9  }
0xb9: {  	_ =	task.clear_ibuf [dreg:s9], $0x6FFFF;
	_ =	strace $0x90000046  }
0xba: {  	s29 =	simm.s32 $0x9;
	_ =	strace $0x80000048  }
0xbb: {  	_ =	swait.ge [sflag:s29], $0x1  }
0xbc: {  	[sflag:s29] =	ssyncadd.s32 $0xFFFFFFFF  }
0xbd: {  	_ =	strace $0x90000048  }
0xbe: {  	_ =	sfence  }
0xbf: {  	s30 =	sld [smem:$0x0];
	_ =	sdelay $0x2  }
0xc0: {  	s31 =	sshll.u32 s1, $0xD;
	s1 =	sshrl.u32 s1, $0x2  }
0xc1: {  	s3 =	sand.u32 $0x4000, s31;
	s1 =	sadd.s32 s1, s30  }
0xc2: {  	s0 =	sor.u32 s3, s0;
	s1 =	sshll.u32 s1, $0x11  }
0xc3: {  	s0 =	sor.u32 s1, s0  }
0xc4: {  	s0 =	sadd.s32 $0x8F2B, s0  }
0xc5: {  	[sflag:s0] =	ssyncadd.remote.s32 $0x1  }
0xc6: {  	_ =	sfence.sel $0xFFFF  }
0xc7: {  	[dreg:$0x0] =	wrdreg $0xFFFFFFFF;
	(pc) =	sbr.abs _section_cstart, $3  }
0xc8: {  	[dreg:$0x1] =	wrdreg $0xFFFFFFFF  }
0xc9: {  	_ =	task.clear_ibuf [dreg:s9], $0x2FFFF;
	_ =	strace $0x9FFFFFFF  }
0xca: {  	(tm) =	ssettm $0x7FFFFFFF  }
0xcb: {  	_ =	shalt  }
tec
execute0_lowered:
.L_overlay_start_1:
0x0: {  	(tag) =	ssettag $0x1  }
0x1: {  	s0 =	rddreg [dreg:$0x0]  }
0x2: {  	s2 =	rddreg [dreg:$0x1]  }
0x3: {  	s1 =	rddreg [dreg:$0x2];
	s6 =	stileid.u32  }
0x4: {  	s4 =	srdreg.scid;
	s3 =	simm.s32 $0x0;
	s26 =	simm.s32 $0x80  }
0x5: {  	s28 =	simm.s32 $0x2900;
	s29 =	simm.s32 $0x3100;
	s30 =	simm.s32 $0x3900  }
0x6: {  	s31 =	simm.s32 $0x4100;
	s14 =	simm.s32 $0x10900;
	s15 =	simm.s32 $0x11100  }
0x7: {  	s16 =	simm.s32 $0x11900;
	s17 =	simm.s32 $0x12100;
	s9 =	simm.s32 $0x14100  }
0x8: {  	s10 =	simm.s32 $0x14900;
	s11 =	simm.s32 $0x15100;
	s12 =	simm.s32 $0x15900  }
0x9: {  	s5 =	sshll.u32 s6, $0x1;
	s4 =	sand.u32 $0x1, s4;
	s6 =	sshrl.u32 s6, $0x3  }
0xa: {  	[smem:$0x7FF] =	sst s3;
	s5 =	sand.u32 $0xE, s5;
	s8 =	sshll.u32 s6, $0x4  }
0xb: {  	s6 =	sshll.u32 s6, $0x13;
	_ =	strace $0x80000047;
	s5 =	sor.u32 s4, s5  }
0xc: {  	s0 =	sadd.s32 s0, s8;
	s7 =	sshll.u32 s5, $0xF;
	s5 =	sshll.u32 s5, $0x6  }
0xd: {  	[dreg:$0xc] =	wrdreg s26;
	s6 =	sor.u32 s6, s7;
	s0 =	sadd.s32 s5, s0  }
0xe: {  	s13 =	simm.s32 $0x16100;
	s6 =	sadd.s32 s1, s6;
	[dreg:$0x4] =	wrdreg s0  }
0xf: {  	s21 =	ssub.s32 $0x2, s4;
	s18 =	sadd.s32 $0x1000, s6;
	[dreg:$0xd] =	wrdreg s6  }
0x10: {  	s26 =	simm.s32 $0x10100;
	s19 =	sadd.s32 $0x2000, s6;
	[dreg:$0x5] =	wrdreg s18  }
0x11: {  	s4 =	sshrl.u32 s21, $0x1;
	s20 =	sadd.s32 $0x3000, s6;
	[dreg:$0x6] =	wrdreg s19  }
0x12: {  	s5 =	sadd.s32 $0x100, s2;
	s22 =	sadd.s32 $0x4000, s6;
	[dreg:$0x7] =	wrdreg s20  }
0x13: {  	s7 =	sadd.s32 $0x300, s2;
	s23 =	sadd.s32 $0x5000, s6;
	[dreg:$0x8] =	wrdreg s22  }
0x14: {  	s1 =	ssub.s32 s21, s4;
	s24 =	sadd.s32 $0x6000, s6;
	[dreg:$0x9] =	wrdreg s23  }
0x15: {  	s4 =	simm.s32 $0x13900;
	s25 =	sadd.s32 $0x7000, s6;
	[dreg:$0xa] =	wrdreg s24  }
0x16: {  	v2 =	vlaneseq.u32;
	s6 =	sadd.s32 $0x200, s2;
	s8 =	smax.u32 s1, $0x1;
	[dreg:$0xb] =	wrdreg s25  }
0x17: {  	vm0 =	vmmov $0xffff;
	v1 =	vshrl.u32 v2, $0x3;
	s25 =	simm.s32 $0x100;
	s18 =	simm.s32 $0x1;
	s20 =	simm.s32 $0x2  }
0x18: {  	v0 =	vand.u32 $0x7, v2;
	v2 =	vor.u32 $0x8, v2;
	v1 =	vmul.u32 $0x8, v1;
	s19 =	simm.s32 $0x12900;
	s23 =	simm.s32 $0x17100;
	s24 =	simm.s32 $0x17900  }
.LBB2_1:
0x19: {  	s21 =	rddreg [dreg:$0x4]  }
0x1a: {  	s22 =	rddreg [dreg:$0xc];
	s1 =	simm.s32 $0x3  }
0x1b: {  	[tilespmem:s3], [sflag:$0x3] =	stream.strided.gather [hbm4b:s21+s22], $0x100, s25, s22, $0x38;
	[tilespmem:$0x18100] =	vst v63  }
0x1c: {  	_ =	swait.ge [sflag:s1], $0x100  }
0x1d: {  	[sflag:s1] =	ssyncset.done $0x0  }
0x1e: {  	[sflag:s1] =	ssyncadd.s32 $0xFFFFFF00  }
0x1f: {  	v3 =	vld [tilespmem:$0x0];
	_ =	sdelay $0x4  }
0x20: {  	v4 =	vshll.u32 v3, $0x3  }
0x21: {  	v3 =	vand.u32 $0x7, v3;
	v4 =	vand.u32 $0xFFFFFFC0, v4  }
0x22: {  	v3 =	vor.u32 v3, v4  }
0x23: {  	v4 =	vperm.xlane v3, v0;
	_ =	sdelay $0x1  }
0x24: {  	v4 =	vadd.s32 v1, v4;
	_ =	sdelay $0x4  }
0x25: {  	[tilespmem:s25], [sflag:$0x1] =	stream.indirect_vreg.gather [hbm4b:s2+s3], $0x80, v4, vm0, $0xb8;
	[tilespmem:$0x18100] =	vst v63  }
0x26: {  	s0 =	simm.s32 $0x900;
	v3 =	vperm.xlane v3, v2  }
0x27: {  	[tilespmem:s0], [sflag:$0x1] =	stream.indirect_vreg.gather [hbm4b:s5+s3], $0x80, v4, vm0, $0xb8;
	[tilespmem:$0x18100] =	vst v63  }
0x28: {  	s21 =	simm.s32 $0x1100;
	v3 =	vadd.s32 v1, v3  }
0x29: {  	[tilespmem:s21], [sflag:$0x1] =	stream.indirect_vreg.gather [hbm4b:s6+s3], $0x80, v4, vm0, $0xb8;
	[tilespmem:$0x18100] =	vst v63  }
0x2a: {  	s22 =	simm.s32 $0x1900  }
0x2b: {  	[tilespmem:s22], [sflag:$0x1] =	stream.indirect_vreg.gather [hbm4b:s7+s3], $0x80, v4, vm0, $0xb8;
	[tilespmem:$0x18100] =	vst v63  }
0x2c: {  	s1 =	simm.s32 $0x2100  }
0x2d: {  	[tilespmem:s1], [sflag:$0x1] =	stream.indirect_vreg.gather [hbm4b:s2+s3], $0x80, v3, vm0, $0xb8;
	[tilespmem:$0x18100] =	vst v63  }
0x2e: {  	_ = 	snop  }
0x2f: {  	[tilespmem:s28], [sflag:$0x1] =	stream.indirect_vreg.gather [hbm4b:s5+s3], $0x80, v3, vm0, $0xb8;
	[tilespmem:$0x18100] =	vst v63  }
0x30: {  	_ = 	snop  }
0x31: {  	[tilespmem:s29], [sflag:$0x1] =	stream.indirect_vreg.gather [hbm4b:s6+s3], $0x80, v3, vm0, $0xb8;
	[tilespmem:$0x18100] =	vst v63  }
0x32: {  	_ = 	snop  }
0x33: {  	[tilespmem:s30], [sflag:$0x1] =	stream.indirect_vreg.gather [hbm4b:s7+s3], $0x80, v3, vm0, $0xb8;
	[tilespmem:$0x18100] =	vst v63  }
0x34: {  	v3 =	vld [tilespmem:$0x10];
	_ =	sdelay $0x4  }
0x35: {  	v49 =	vshll.u32 v3, $0x3  }
0x36: {  	v3 =	vand.u32 $0x7, v3;
	v4 =	vand.u32 $0xFFFFFFC0, v49  }
0x37: {  	v3 =	vor.u32 v3, v4  }
0x38: {  	v4 =	vperm.xlane v3, v0;
	_ =	sdelay $0x1  }
0x39: {  	v4 =	vadd.s32 v1, v4;
	_ =	sdelay $0x4  }
0x3a: {  	[tilespmem:s31], [sflag:$0x1] =	stream.indirect_vreg.gather [hbm4b:s2+s3], $0x80, v4, vm0, $0xb8;
	[tilespmem:$0x18100] =	vst v63  }
0x3b: {  	s21 =	simm.s32 $0x4900;
	v3 =	vperm.xlane v3, v2  }
0x3c: {  	[tilespmem:s21], [sflag:$0x1] =	stream.indirect_vreg.gather [hbm4b:s5+s3], $0x80, v4, vm0, $0xb8;
	[tilespmem:$0x18100] =	vst v63  }
0x3d: {  	s22 =	simm.s32 $0x5100;
	v3 =	vadd.s32 v1, v3  }
0x3e: {  	[tilespmem:s22], [sflag:$0x1] =	stream.indirect_vreg.gather [hbm4b:s6+s3], $0x80, v4, vm0, $0xb8;
	[tilespmem:$0x18100] =	vst v63  }
0x3f: {  	s1 =	simm.s32 $0x5900  }
0x40: {  	[tilespmem:s1], [sflag:$0x1] =	stream.indirect_vreg.gather [hbm4b:s7+s3], $0x80, v4, vm0, $0xb8;
	[tilespmem:$0x18100] =	vst v63  }
0x41: {  	s21 =	simm.s32 $0x6100  }
0x42: {  	[tilespmem:s21], [sflag:$0x1] =	stream.indirect_vreg.gather [hbm4b:s2+s3], $0x80, v3, vm0, $0xb8;
	[tilespmem:$0x18100] =	vst v63  }
0x43: {  	s22 =	simm.s32 $0x6900  }
0x44: {  	[tilespmem:s22], [sflag:$0x1] =	stream.indirect_vreg.gather [hbm4b:s5+s3], $0x80, v3, vm0, $0xb8;
	[tilespmem:$0x18100] =	vst v63  }
0x45: {  	s1 =	simm.s32 $0x7100  }
0x46: {  	[tilespmem:s1], [sflag:$0x1] =	stream.indirect_vreg.gather [hbm4b:s6+s3], $0x80, v3, vm0, $0xb8;
	[tilespmem:$0x18100] =	vst v63  }
0x47: {  	s21 =	simm.s32 $0x7900  }
0x48: {  	[tilespmem:s21], [sflag:$0x1] =	stream.indirect_vreg.gather [hbm4b:s7+s3], $0x80, v3, vm0, $0xb8;
	[tilespmem:$0x18100] =	vst v63  }
0x49: {  	v3 =	vld [tilespmem:$0x20];
	_ =	sdelay $0x4  }
0x4a: {  	v50 =	vshll.u32 v3, $0x3  }
0x4b: {  	v3 =	vand.u32 $0x7, v3;
	v4 =	vand.u32 $0xFFFFFFC0, v50  }
0x4c: {  	v3 =	vor.u32 v3, v4  }
0x4d: {  	v4 =	vperm.xlane v3, v0;
	_ =	sdelay $0x1  }
0x4e: {  	v4 =	vadd.s32 v1, v4;
	_ =	sdelay $0x3  }
0x4f: {  	s0 =	simm.s32 $0x8100  }
0x50: {  	[tilespmem:s0], [sflag:$0x1] =	stream.indirect_vreg.gather [hbm4b:s2+s3], $0x80, v4, vm0, $0xb8;
	[tilespmem:$0x18100] =	vst v63  }
0x51: {  	s1 =	simm.s32 $0x8900;
	v3 =	vperm.xlane v3, v2  }
0x52: {  	[tilespmem:s1], [sflag:$0x1] =	stream.indirect_vreg.gather [hbm4b:s5+s3], $0x80, v4, vm0, $0xb8;
	[tilespmem:$0x18100] =	vst v63  }
0x53: {  	s22 =	simm.s32 $0x9100;
	v3 =	vadd.s32 v1, v3  }
0x54: {  	[tilespmem:s22], [sflag:$0x1] =	stream.indirect_vreg.gather [hbm4b:s6+s3], $0x80, v4, vm0, $0xb8;
	[tilespmem:$0x18100] =	vst v63  }
0x55: {  	s21 =	simm.s32 $0x9900  }
0x56: {  	[tilespmem:s21], [sflag:$0x1] =	stream.indirect_vreg.gather [hbm4b:s7+s3], $0x80, v4, vm0, $0xb8;
	[tilespmem:$0x18100] =	vst v63  }
0x57: {  	s22 =	simm.s32 $0xA100  }
0x58: {  	[tilespmem:s22], [sflag:$0x1] =	stream.indirect_vreg.gather [hbm4b:s2+s3], $0x80, v3, vm0, $0xb8;
	[tilespmem:$0x18100] =	vst v63  }
0x59: {  	s21 =	simm.s32 $0xA900  }
0x5a: {  	[tilespmem:s21], [sflag:$0x1] =	stream.indirect_vreg.gather [hbm4b:s5+s3], $0x80, v3, vm0, $0xb8;
	[tilespmem:$0x18100] =	vst v63  }
0x5b: {  	s22 =	simm.s32 $0xB100  }
0x5c: {  	[tilespmem:s22], [sflag:$0x1] =	stream.indirect_vreg.gather [hbm4b:s6+s3], $0x80, v3, vm0, $0xb8;
	[tilespmem:$0x18100] =	vst v63  }
0x5d: {  	s21 =	simm.s32 $0xB900  }
0x5e: {  	[tilespmem:s21], [sflag:$0x1] =	stream.indirect_vreg.gather [hbm4b:s7+s3], $0x80, v3, vm0, $0xb8;
	[tilespmem:$0x18100] =	vst v63  }
0x5f: {  	v3 =	vld [tilespmem:$0x30];
	_ =	sdelay $0x4  }
0x60: {  	v51 =	vshll.u32 v3, $0x3  }
0x61: {  	v3 =	vand.u32 $0x7, v3;
	v4 =	vand.u32 $0xFFFFFFC0, v51  }
0x62: {  	v3 =	vor.u32 v3, v4  }
0x63: {  	v4 =	vperm.xlane v3, v0;
	_ =	sdelay $0x1  }
0x64: {  	v4 =	vadd.s32 v1, v4;
	_ =	sdelay $0x3  }
0x65: {  	s22 =	simm.s32 $0xC100  }
0x66: {  	[tilespmem:s22], [sflag:$0x1] =	stream.indirect_vreg.gather [hbm4b:s2+s3], $0x80, v4, vm0, $0xb8;
	[tilespmem:$0x18100] =	vst v63  }
0x67: {  	s21 =	simm.s32 $0xC900;
	v3 =	vperm.xlane v3, v2  }
0x68: {  	[tilespmem:s21], [sflag:$0x1] =	stream.indirect_vreg.gather [hbm4b:s5+s3], $0x80, v4, vm0, $0xb8;
	[tilespmem:$0x18100] =	vst v63  }
0x69: {  	v3 =	vadd.s32 v1, v3;
	s22 =	simm.s32 $0xD100  }
0x6a: {  	[tilespmem:s22], [sflag:$0x1] =	stream.indirect_vreg.gather [hbm4b:s6+s3], $0x80, v4, vm0, $0xb8;
	[tilespmem:$0x18100] =	vst v63  }
0x6b: {  	s21 =	simm.s32 $0xD900  }
0x6c: {  	[tilespmem:s21], [sflag:$0x1] =	stream.indirect_vreg.gather [hbm4b:s7+s3], $0x80, v4, vm0, $0xb8;
	[tilespmem:$0x18100] =	vst v63  }
0x6d: {  	s22 =	simm.s32 $0xE100  }
0x6e: {  	[tilespmem:s22], [sflag:$0x1] =	stream.indirect_vreg.gather [hbm4b:s2+s3], $0x80, v3, vm0, $0xb8;
	[tilespmem:$0x18100] =	vst v63  }
0x6f: {  	s21 =	simm.s32 $0xE900  }
0x70: {  	[tilespmem:s21], [sflag:$0x1] =	stream.indirect_vreg.gather [hbm4b:s5+s3], $0x80, v3, vm0, $0xb8;
	[tilespmem:$0x18100] =	vst v63  }
0x71: {  	s22 =	simm.s32 $0xF100  }
0x72: {  	[tilespmem:s22], [sflag:$0x1] =	stream.indirect_vreg.gather [hbm4b:s6+s3], $0x80, v3, vm0, $0xb8;
	[tilespmem:$0x18100] =	vst v63  }
0x73: {  	s21 =	simm.s32 $0xF900  }
0x74: {  	[tilespmem:s21], [sflag:$0x1] =	stream.indirect_vreg.gather [hbm4b:s7+s3], $0x80, v3, vm0, $0xb8;
	[tilespmem:$0x18100] =	vst v63  }
0x75: {  	_ =	swait.ge [sflag:s18], $0x8000  }
0x76: {  	[sflag:s18] =	ssyncset.done $0x0  }
0x77: {  	s22 =	rddreg [dreg:$0xd];
	[sflag:s18] =	ssyncadd.s32 $0xFFFF8000  }
0x78: {  	[hbm4b:s22+s3] =	stream.linear.scatter [tilespmem:s25], [sflag:$0x2], $0x8000, $0x38;
	[tilespmem:$0x18100] =	vst v63  }
0x79: {  	v3 =	vld [tilespmem:$0x40];
	_ =	sdelay $0x4  }
0x7a: {  	v52 =	vshll.u32 v3, $0x3  }
0x7b: {  	v3 =	vand.u32 $0x7, v3;
	v4 =	vand.u32 $0xFFFFFFC0, v52  }
0x7c: {  	v3 =	vor.u32 v3, v4  }
0x7d: {  	v4 =	vperm.xlane v3, v0;
	_ =	sdelay $0x1  }
0x7e: {  	v4 =	vadd.s32 v1, v4;
	_ =	sdelay $0x4  }
0x7f: {  	[tilespmem:s26], [sflag:$0x1] =	stream.indirect_vreg.gather [hbm4b:s2+s3], $0x80, v4, vm0, $0xb8;
	[tilespmem:$0x18100] =	vst v63  }
0x80: {  	v3 =	vperm.xlane v3, v2  }
0x81: {  	[tilespmem:s14], [sflag:$0x1] =	stream.indirect_vreg.gather [hbm4b:s5+s3], $0x80, v4, vm0, $0xb8;
	[tilespmem:$0x18100] =	vst v63  }
0x82: {  	v3 =	vadd.s32 v1, v3  }
0x83: {  	[tilespmem:s15], [sflag:$0x1] =	stream.indirect_vreg.gather [hbm4b:s6+s3], $0x80, v4, vm0, $0xb8;
	[tilespmem:$0x18100] =	vst v63  }
0x84: {  	_ = 	snop  }
0x85: {  	[tilespmem:s16], [sflag:$0x1] =	stream.indirect_vreg.gather [hbm4b:s7+s3], $0x80, v4, vm0, $0xb8;
	[tilespmem:$0x18100] =	vst v63  }
0x86: {  	_ = 	snop  }
0x87: {  	[tilespmem:s17], [sflag:$0x1] =	stream.indirect_vreg.gather [hbm4b:s2+s3], $0x80, v3, vm0, $0xb8;
	[tilespmem:$0x18100] =	vst v63  }
0x88: {  	_ = 	snop  }
0x89: {  	[tilespmem:s19], [sflag:$0x1] =	stream.indirect_vreg.gather [hbm4b:s5+s3], $0x80, v3, vm0, $0xb8;
	[tilespmem:$0x18100] =	vst v63  }
0x8a: {  	s1 =	simm.s32 $0x13100  }
0x8b: {  	[tilespmem:s1], [sflag:$0x1] =	stream.indirect_vreg.gather [hbm4b:s6+s3], $0x80, v3, vm0, $0xb8;
	[tilespmem:$0x18100] =	vst v63  }
0x8c: {  	_ = 	snop  }
0x8d: {  	[tilespmem:s4], [sflag:$0x1] =	stream.indirect_vreg.gather [hbm4b:s7+s3], $0x80, v3, vm0, $0xb8;
	[tilespmem:$0x18100] =	vst v63  }
0x8e: {  	v3 =	vld [tilespmem:$0x50];
	_ =	sdelay $0x4  }
0x8f: {  	v53 =	vshll.u32 v3, $0x3  }
0x90: {  	v3 =	vand.u32 $0x7, v3;
	v4 =	vand.u32 $0xFFFFFFC0, v53  }
0x91: {  	v3 =	vor.u32 v3, v4  }
0x92: {  	v4 =	vperm.xlane v3, v0;
	_ =	sdelay $0x1  }
0x93: {  	v4 =	vadd.s32 v1, v4;
	_ =	sdelay $0x4  }
0x94: {  	[tilespmem:s9], [sflag:$0x1] =	stream.indirect_vreg.gather [hbm4b:s2+s3], $0x80, v4, vm0, $0xb8;
	[tilespmem:$0x18100] =	vst v63  }
0x95: {  	v3 =	vperm.xlane v3, v2  }
0x96: {  	[tilespmem:s10], [sflag:$0x1] =	stream.indirect_vreg.gather [hbm4b:s5+s3], $0x80, v4, vm0, $0xb8;
	[tilespmem:$0x18100] =	vst v63  }
0x97: {  	v3 =	vadd.s32 v1, v3  }
0x98: {  	[tilespmem:s11], [sflag:$0x1] =	stream.indirect_vreg.gather [hbm4b:s6+s3], $0x80, v4, vm0, $0xb8;
	[tilespmem:$0x18100] =	vst v63  }
0x99: {  	_ = 	snop  }
0x9a: {  	[tilespmem:s12], [sflag:$0x1] =	stream.indirect_vreg.gather [hbm4b:s7+s3], $0x80, v4, vm0, $0xb8;
	[tilespmem:$0x18100] =	vst v63  }
0x9b: {  	_ = 	snop  }
0x9c: {  	[tilespmem:s13], [sflag:$0x1] =	stream.indirect_vreg.gather [hbm4b:s2+s3], $0x80, v3, vm0, $0xb8;
	[tilespmem:$0x18100] =	vst v63  }
0x9d: {  	s22 =	simm.s32 $0x16900  }
0x9e: {  	[tilespmem:s22], [sflag:$0x1] =	stream.indirect_vreg.gather [hbm4b:s5+s3], $0x80, v3, vm0, $0xb8;
	[tilespmem:$0x18100] =	vst v63  }
0x9f: {  	_ = 	snop  }
0xa0: {  	[tilespmem:s23], [sflag:$0x1] =	stream.indirect_vreg.gather [hbm4b:s6+s3], $0x80, v3, vm0, $0xb8;
	[tilespmem:$0x18100] =	vst v63  }
0xa1: {  	_ = 	snop  }
0xa2: {  	[tilespmem:s24], [sflag:$0x1] =	stream.indirect_vreg.gather [hbm4b:s7+s3], $0x80, v3, vm0, $0xb8;
	[tilespmem:$0x18100] =	vst v63  }
0xa3: {  	_ =	swait.ge [sflag:s18], $0x8000  }
0xa4: {  	[sflag:s18] =	ssyncset.done $0x0  }
0xa5: {  	s21 =	rddreg [dreg:$0x5];
	[sflag:s18] =	ssyncadd.s32 $0xFFFF8000  }
0xa6: {  	[hbm4b:s21+s3] =	stream.linear.scatter [tilespmem:s0], [sflag:$0x2], $0x8000, $0x38;
	[tilespmem:$0x18100] =	vst v63  }
0xa7: {  	_ =	swait.ge [sflag:s20], $0x8000  }
0xa8: {  	[sflag:s20] =	ssyncset.done $0x0  }
0xa9: {  	[sflag:s20] =	ssyncadd.s32 $0xFFFF8000  }
0xaa: {  	v3 =	vld [tilespmem:$0x60];
	_ =	sdelay $0x4  }
0xab: {  	v54 =	vshll.u32 v3, $0x3  }
0xac: {  	v3 =	vand.u32 $0x7, v3;
	v4 =	vand.u32 $0xFFFFFFC0, v54  }
0xad: {  	v3 =	vor.u32 v3, v4  }
0xae: {  	v4 =	vperm.xlane v3, v0;
	_ =	sdelay $0x1  }
0xaf: {  	v4 =	vadd.s32 v1, v4;
	_ =	sdelay $0x4  }
0xb0: {  	[tilespmem:s25], [sflag:$0x1] =	stream.indirect_vreg.gather [hbm4b:s2+s3], $0x80, v4, vm0, $0xb8;
	[tilespmem:$0x18100] =	vst v63  }
0xb1: {  	s21 =	simm.s32 $0x900;
	v3 =	vperm.xlane v3, v2  }
0xb2: {  	[tilespmem:s21], [sflag:$0x1] =	stream.indirect_vreg.gather [hbm4b:s5+s3], $0x80, v4, vm0, $0xb8;
	[tilespmem:$0x18100] =	vst v63  }
0xb3: {  	v3 =	vadd.s32 v1, v3;
	s21 =	simm.s32 $0x1100  }
0xb4: {  	[tilespmem:s21], [sflag:$0x1] =	stream.indirect_vreg.gather [hbm4b:s6+s3], $0x80, v4, vm0, $0xb8;
	[tilespmem:$0x18100] =	vst v63  }
0xb5: {  	s21 =	simm.s32 $0x1900  }
0xb6: {  	[tilespmem:s21], [sflag:$0x1] =	stream.indirect_vreg.gather [hbm4b:s7+s3], $0x80, v4, vm0, $0xb8;
	[tilespmem:$0x18100] =	vst v63  }
0xb7: {  	s21 =	simm.s32 $0x2100  }
0xb8: {  	[tilespmem:s21], [sflag:$0x1] =	stream.indirect_vreg.gather [hbm4b:s2+s3], $0x80, v3, vm0, $0xb8;
	[tilespmem:$0x18100] =	vst v63  }
0xb9: {  	_ = 	snop  }
0xba: {  	[tilespmem:s28], [sflag:$0x1] =	stream.indirect_vreg.gather [hbm4b:s5+s3], $0x80, v3, vm0, $0xb8;
	[tilespmem:$0x18100] =	vst v63  }
0xbb: {  	_ = 	snop  }
0xbc: {  	[tilespmem:s29], [sflag:$0x1] =	stream.indirect_vreg.gather [hbm4b:s6+s3], $0x80, v3, vm0, $0xb8;
	[tilespmem:$0x18100] =	vst v63  }
0xbd: {  	_ = 	snop  }
0xbe: {  	[tilespmem:s30], [sflag:$0x1] =	stream.indirect_vreg.gather [hbm4b:s7+s3], $0x80, v3, vm0, $0xb8;
	[tilespmem:$0x18100] =	vst v63  }
0xbf: {  	v3 =	vld [tilespmem:$0x70];
	_ =	sdelay $0x4  }
0xc0: {  	v55 =	vshll.u32 v3, $0x3  }
0xc1: {  	v3 =	vand.u32 $0x7, v3;
	v4 =	vand.u32 $0xFFFFFFC0, v55  }
0xc2: {  	v3 =	vor.u32 v3, v4  }
0xc3: {  	v4 =	vperm.xlane v3, v0;
	_ =	sdelay $0x1  }
0xc4: {  	v4 =	vadd.s32 v1, v4;
	_ =	sdelay $0x4  }
0xc5: {  	[tilespmem:s31], [sflag:$0x1] =	stream.indirect_vreg.gather [hbm4b:s2+s3], $0x80, v4, vm0, $0xb8;
	[tilespmem:$0x18100] =	vst v63  }
0xc6: {  	s21 =	simm.s32 $0x4900;
	v3 =	vperm.xlane v3, v2  }
0xc7: {  	[tilespmem:s21], [sflag:$0x1] =	stream.indirect_vreg.gather [hbm4b:s5+s3], $0x80, v4, vm0, $0xb8;
	[tilespmem:$0x18100] =	vst v63  }
0xc8: {  	v3 =	vadd.s32 v1, v3;
	s21 =	simm.s32 $0x5100  }
0xc9: {  	[tilespmem:s21], [sflag:$0x1] =	stream.indirect_vreg.gather [hbm4b:s6+s3], $0x80, v4, vm0, $0xb8;
	[tilespmem:$0x18100] =	vst v63  }
0xca: {  	s21 =	simm.s32 $0x5900  }
0xcb: {  	[tilespmem:s21], [sflag:$0x1] =	stream.indirect_vreg.gather [hbm4b:s7+s3], $0x80, v4, vm0, $0xb8;
	[tilespmem:$0x18100] =	vst v63  }
0xcc: {  	s21 =	simm.s32 $0x6100  }
0xcd: {  	[tilespmem:s21], [sflag:$0x1] =	stream.indirect_vreg.gather [hbm4b:s2+s3], $0x80, v3, vm0, $0xb8;
	[tilespmem:$0x18100] =	vst v63  }
0xce: {  	s21 =	simm.s32 $0x6900  }
0xcf: {  	[tilespmem:s21], [sflag:$0x1] =	stream.indirect_vreg.gather [hbm4b:s5+s3], $0x80, v3, vm0, $0xb8;
	[tilespmem:$0x18100] =	vst v63  }
0xd0: {  	s21 =	simm.s32 $0x7100  }
0xd1: {  	[tilespmem:s21], [sflag:$0x1] =	stream.indirect_vreg.gather [hbm4b:s6+s3], $0x80, v3, vm0, $0xb8;
	[tilespmem:$0x18100] =	vst v63  }
0xd2: {  	s21 =	simm.s32 $0x7900  }
0xd3: {  	[tilespmem:s21], [sflag:$0x1] =	stream.indirect_vreg.gather [hbm4b:s7+s3], $0x80, v3, vm0, $0xb8;
	[tilespmem:$0x18100] =	vst v63  }
0xd4: {  	_ =	swait.ge [sflag:s18], $0x8000  }
0xd5: {  	[sflag:s18] =	ssyncset.done $0x0  }
0xd6: {  	s21 =	rddreg [dreg:$0x6];
	[sflag:s18] =	ssyncadd.s32 $0xFFFF8000  }
0xd7: {  	[hbm4b:s21+s3] =	stream.linear.scatter [tilespmem:s26], [sflag:$0x2], $0x8000, $0x38;
	[tilespmem:$0x18100] =	vst v63  }
0xd8: {  	_ =	swait.ge [sflag:s20], $0x8000  }
0xd9: {  	[sflag:s20] =	ssyncset.done $0x0  }
0xda: {  	[sflag:s20] =	ssyncadd.s32 $0xFFFF8000  }
0xdb: {  	v3 =	vld [tilespmem:$0x80];
	_ =	sdelay $0x4  }
0xdc: {  	v56 =	vshll.u32 v3, $0x3  }
0xdd: {  	v3 =	vand.u32 $0x7, v3;
	v4 =	vand.u32 $0xFFFFFFC0, v56  }
0xde: {  	v3 =	vor.u32 v3, v4  }
0xdf: {  	v4 =	vperm.xlane v3, v0;
	_ =	sdelay $0x1  }
0xe0: {  	v4 =	vadd.s32 v1, v4;
	_ =	sdelay $0x4  }
0xe1: {  	[tilespmem:s0], [sflag:$0x1] =	stream.indirect_vreg.gather [hbm4b:s2+s3], $0x80, v4, vm0, $0xb8;
	[tilespmem:$0x18100] =	vst v63  }
0xe2: {  	s21 =	simm.s32 $0x8900;
	v3 =	vperm.xlane v3, v2  }
0xe3: {  	[tilespmem:s21], [sflag:$0x1] =	stream.indirect_vreg.gather [hbm4b:s5+s3], $0x80, v4, vm0, $0xb8;
	[tilespmem:$0x18100] =	vst v63  }
0xe4: {  	v3 =	vadd.s32 v1, v3;
	s21 =	simm.s32 $0x9100  }
0xe5: {  	[tilespmem:s21], [sflag:$0x1] =	stream.indirect_vreg.gather [hbm4b:s6+s3], $0x80, v4, vm0, $0xb8;
	[tilespmem:$0x18100] =	vst v63  }
0xe6: {  	s21 =	simm.s32 $0x9900  }
0xe7: {  	[tilespmem:s21], [sflag:$0x1] =	stream.indirect_vreg.gather [hbm4b:s7+s3], $0x80, v4, vm0, $0xb8;
	[tilespmem:$0x18100] =	vst v63  }
0xe8: {  	s21 =	simm.s32 $0xA100  }
0xe9: {  	[tilespmem:s21], [sflag:$0x1] =	stream.indirect_vreg.gather [hbm4b:s2+s3], $0x80, v3, vm0, $0xb8;
	[tilespmem:$0x18100] =	vst v63  }
0xea: {  	s21 =	simm.s32 $0xA900  }
0xeb: {  	[tilespmem:s21], [sflag:$0x1] =	stream.indirect_vreg.gather [hbm4b:s5+s3], $0x80, v3, vm0, $0xb8;
	[tilespmem:$0x18100] =	vst v63  }
0xec: {  	s21 =	simm.s32 $0xB100  }
0xed: {  	[tilespmem:s21], [sflag:$0x1] =	stream.indirect_vreg.gather [hbm4b:s6+s3], $0x80, v3, vm0, $0xb8;
	[tilespmem:$0x18100] =	vst v63  }
0xee: {  	s21 =	simm.s32 $0xB900  }
0xef: {  	[tilespmem:s21], [sflag:$0x1] =	stream.indirect_vreg.gather [hbm4b:s7+s3], $0x80, v3, vm0, $0xb8;
	[tilespmem:$0x18100] =	vst v63  }
0xf0: {  	v3 =	vld [tilespmem:$0x90];
	_ =	sdelay $0x4  }
0xf1: {  	v57 =	vshll.u32 v3, $0x3  }
0xf2: {  	v3 =	vand.u32 $0x7, v3;
	v4 =	vand.u32 $0xFFFFFFC0, v57  }
0xf3: {  	v3 =	vor.u32 v3, v4  }
0xf4: {  	v4 =	vperm.xlane v3, v0;
	_ =	sdelay $0x1  }
0xf5: {  	v4 =	vadd.s32 v1, v4;
	_ =	sdelay $0x3  }
0xf6: {  	s21 =	simm.s32 $0xC100  }
0xf7: {  	[tilespmem:s21], [sflag:$0x1] =	stream.indirect_vreg.gather [hbm4b:s2+s3], $0x80, v4, vm0, $0xb8;
	[tilespmem:$0x18100] =	vst v63  }
0xf8: {  	v3 =	vperm.xlane v3, v2;
	s21 =	simm.s32 $0xC900  }
0xf9: {  	[tilespmem:s21], [sflag:$0x1] =	stream.indirect_vreg.gather [hbm4b:s5+s3], $0x80, v4, vm0, $0xb8;
	[tilespmem:$0x18100] =	vst v63  }
0xfa: {  	v3 =	vadd.s32 v1, v3;
	s21 =	simm.s32 $0xD100  }
0xfb: {  	[tilespmem:s21], [sflag:$0x1] =	stream.indirect_vreg.gather [hbm4b:s6+s3], $0x80, v4, vm0, $0xb8;
	[tilespmem:$0x18100] =	vst v63  }
0xfc: {  	s21 =	simm.s32 $0xD900  }
0xfd: {  	[tilespmem:s21], [sflag:$0x1] =	stream.indirect_vreg.gather [hbm4b:s7+s3], $0x80, v4, vm0, $0xb8;
	[tilespmem:$0x18100] =	vst v63  }
0xfe: {  	s21 =	simm.s32 $0xE100  }
0xff: {  	[tilespmem:s21], [sflag:$0x1] =	stream.indirect_vreg.gather [hbm4b:s2+s3], $0x80, v3, vm0, $0xb8;
	[tilespmem:$0x18100] =	vst v63  }
0x100: {  	s21 =	simm.s32 $0xE900  }
0x101: {  	[tilespmem:s21], [sflag:$0x1] =	stream.indirect_vreg.gather [hbm4b:s5+s3], $0x80, v3, vm0, $0xb8;
	[tilespmem:$0x18100] =	vst v63  }
0x102: {  	s21 =	simm.s32 $0xF100  }
0x103: {  	[tilespmem:s21], [sflag:$0x1] =	stream.indirect_vreg.gather [hbm4b:s6+s3], $0x80, v3, vm0, $0xb8;
	[tilespmem:$0x18100] =	vst v63  }
0x104: {  	s21 =	simm.s32 $0xF900  }
0x105: {  	[tilespmem:s21], [sflag:$0x1] =	stream.indirect_vreg.gather [hbm4b:s7+s3], $0x80, v3, vm0, $0xb8;
	[tilespmem:$0x18100] =	vst v63  }
0x106: {  	_ =	swait.ge [sflag:s18], $0x8000  }
0x107: {  	[sflag:s18] =	ssyncset.done $0x0  }
0x108: {  	s21 =	rddreg [dreg:$0x7];
	[sflag:s18] =	ssyncadd.s32 $0xFFFF8000  }
0x109: {  	[hbm4b:s21+s3] =	stream.linear.scatter [tilespmem:s25], [sflag:$0x2], $0x8000, $0x38;
	[tilespmem:$0x18100] =	vst v63  }
0x10a: {  	_ =	swait.ge [sflag:s20], $0x8000  }
0x10b: {  	[sflag:s20] =	ssyncset.done $0x0  }
0x10c: {  	[sflag:s20] =	ssyncadd.s32 $0xFFFF8000  }
0x10d: {  	v3 =	vld [tilespmem:$0xA0];
	_ =	sdelay $0x4  }
0x10e: {  	v58 =	vshll.u32 v3, $0x3  }
0x10f: {  	v3 =	vand.u32 $0x7, v3;
	v4 =	vand.u32 $0xFFFFFFC0, v58  }
0x110: {  	v3 =	vor.u32 v3, v4  }
0x111: {  	v4 =	vperm.xlane v3, v0;
	_ =	sdelay $0x1  }
0x112: {  	v4 =	vadd.s32 v1, v4;
	_ =	sdelay $0x4  }
0x113: {  	[tilespmem:s26], [sflag:$0x1] =	stream.indirect_vreg.gather [hbm4b:s2+s3], $0x80, v4, vm0, $0xb8;
	[tilespmem:$0x18100] =	vst v63  }
0x114: {  	v3 =	vperm.xlane v3, v2  }
0x115: {  	[tilespmem:s14], [sflag:$0x1] =	stream.indirect_vreg.gather [hbm4b:s5+s3], $0x80, v4, vm0, $0xb8;
	[tilespmem:$0x18100] =	vst v63  }
0x116: {  	v3 =	vadd.s32 v1, v3  }
0x117: {  	[tilespmem:s15], [sflag:$0x1] =	stream.indirect_vreg.gather [hbm4b:s6+s3], $0x80, v4, vm0, $0xb8;
	[tilespmem:$0x18100] =	vst v63  }
0x118: {  	_ = 	snop  }
0x119: {  	[tilespmem:s16], [sflag:$0x1] =	stream.indirect_vreg.gather [hbm4b:s7+s3], $0x80, v4, vm0, $0xb8;
	[tilespmem:$0x18100] =	vst v63  }
0x11a: {  	_ = 	snop  }
0x11b: {  	[tilespmem:s17], [sflag:$0x1] =	stream.indirect_vreg.gather [hbm4b:s2+s3], $0x80, v3, vm0, $0xb8;
	[tilespmem:$0x18100] =	vst v63  }
0x11c: {  	_ = 	snop  }
0x11d: {  	[tilespmem:s19], [sflag:$0x1] =	stream.indirect_vreg.gather [hbm4b:s5+s3], $0x80, v3, vm0, $0xb8;
	[tilespmem:$0x18100] =	vst v63  }
0x11e: {  	_ = 	snop  }
0x11f: {  	[tilespmem:s1], [sflag:$0x1] =	stream.indirect_vreg.gather [hbm4b:s6+s3], $0x80, v3, vm0, $0xb8;
	[tilespmem:$0x18100] =	vst v63  }
0x120: {  	_ = 	snop  }
0x121: {  	[tilespmem:s4], [sflag:$0x1] =	stream.indirect_vreg.gather [hbm4b:s7+s3], $0x80, v3, vm0, $0xb8;
	[tilespmem:$0x18100] =	vst v63  }
0x122: {  	v3 =	vld [tilespmem:$0xB0];
	_ =	sdelay $0x4  }
0x123: {  	v59 =	vshll.u32 v3, $0x3  }
0x124: {  	v3 =	vand.u32 $0x7, v3;
	v4 =	vand.u32 $0xFFFFFFC0, v59  }
0x125: {  	v3 =	vor.u32 v3, v4  }
0x126: {  	v4 =	vperm.xlane v3, v0;
	_ =	sdelay $0x1  }
0x127: {  	v4 =	vadd.s32 v1, v4;
	_ =	sdelay $0x4  }
0x128: {  	[tilespmem:s9], [sflag:$0x1] =	stream.indirect_vreg.gather [hbm4b:s2+s3], $0x80, v4, vm0, $0xb8;
	[tilespmem:$0x18100] =	vst v63  }
0x129: {  	v3 =	vperm.xlane v3, v2  }
0x12a: {  	[tilespmem:s10], [sflag:$0x1] =	stream.indirect_vreg.gather [hbm4b:s5+s3], $0x80, v4, vm0, $0xb8;
	[tilespmem:$0x18100] =	vst v63  }
0x12b: {  	v3 =	vadd.s32 v1, v3  }
0x12c: {  	[tilespmem:s11], [sflag:$0x1] =	stream.indirect_vreg.gather [hbm4b:s6+s3], $0x80, v4, vm0, $0xb8;
	[tilespmem:$0x18100] =	vst v63  }
0x12d: {  	_ = 	snop  }
0x12e: {  	[tilespmem:s12], [sflag:$0x1] =	stream.indirect_vreg.gather [hbm4b:s7+s3], $0x80, v4, vm0, $0xb8;
	[tilespmem:$0x18100] =	vst v63  }
0x12f: {  	_ = 	snop  }
0x130: {  	[tilespmem:s13], [sflag:$0x1] =	stream.indirect_vreg.gather [hbm4b:s2+s3], $0x80, v3, vm0, $0xb8;
	[tilespmem:$0x18100] =	vst v63  }
0x131: {  	_ = 	snop  }
0x132: {  	[tilespmem:s22], [sflag:$0x1] =	stream.indirect_vreg.gather [hbm4b:s5+s3], $0x80, v3, vm0, $0xb8;
	[tilespmem:$0x18100] =	vst v63  }
0x133: {  	_ = 	snop  }
0x134: {  	[tilespmem:s23], [sflag:$0x1] =	stream.indirect_vreg.gather [hbm4b:s6+s3], $0x80, v3, vm0, $0xb8;
	[tilespmem:$0x18100] =	vst v63  }
0x135: {  	_ = 	snop  }
0x136: {  	[tilespmem:s24], [sflag:$0x1] =	stream.indirect_vreg.gather [hbm4b:s7+s3], $0x80, v3, vm0, $0xb8;
	[tilespmem:$0x18100] =	vst v63  }
0x137: {  	_ =	swait.ge [sflag:s18], $0x8000  }
0x138: {  	[sflag:s18] =	ssyncset.done $0x0  }
0x139: {  	s1 =	rddreg [dreg:$0x8];
	[sflag:s18] =	ssyncadd.s32 $0xFFFF8000  }
0x13a: {  	[hbm4b:s1+s3] =	stream.linear.scatter [tilespmem:s0], [sflag:$0x2], $0x8000, $0x38;
	[tilespmem:$0x18100] =	vst v63  }
0x13b: {  	_ =	swait.ge [sflag:s20], $0x8000  }
0x13c: {  	[sflag:s20] =	ssyncset.done $0x0  }
0x13d: {  	[sflag:s20] =	ssyncadd.s32 $0xFFFF8000  }
0x13e: {  	v3 =	vld [tilespmem:$0xC0];
	_ =	sdelay $0x4  }
0x13f: {  	v60 =	vshll.u32 v3, $0x3  }
0x140: {  	v3 =	vand.u32 $0x7, v3;
	v4 =	vand.u32 $0xFFFFFFC0, v60  }
0x141: {  	v3 =	vor.u32 v3, v4  }
0x142: {  	v4 =	vperm.xlane v3, v0;
	_ =	sdelay $0x1  }
0x143: {  	v4 =	vadd.s32 v1, v4;
	_ =	sdelay $0x4  }
0x144: {  	[tilespmem:s25], [sflag:$0x1] =	stream.indirect_vreg.gather [hbm4b:s2+s3], $0x80, v4, vm0, $0xb8;
	[tilespmem:$0x18100] =	vst v63  }
0x145: {  	s22 =	simm.s32 $0x900;
	v3 =	vperm.xlane v3, v2  }
0x146: {  	[tilespmem:s22], [sflag:$0x1] =	stream.indirect_vreg.gather [hbm4b:s5+s3], $0x80, v4, vm0, $0xb8;
	[tilespmem:$0x18100] =	vst v63  }
0x147: {  	s21 =	simm.s32 $0x1100;
	v3 =	vadd.s32 v1, v3  }
0x148: {  	[tilespmem:s21], [sflag:$0x1] =	stream.indirect_vreg.gather [hbm4b:s6+s3], $0x80, v4, vm0, $0xb8;
	[tilespmem:$0x18100] =	vst v63  }
0x149: {  	s22 =	simm.s32 $0x1900  }
0x14a: {  	[tilespmem:s22], [sflag:$0x1] =	stream.indirect_vreg.gather [hbm4b:s7+s3], $0x80, v4, vm0, $0xb8;
	[tilespmem:$0x18100] =	vst v63  }
0x14b: {  	s21 =	simm.s32 $0x2100  }
0x14c: {  	[tilespmem:s21], [sflag:$0x1] =	stream.indirect_vreg.gather [hbm4b:s2+s3], $0x80, v3, vm0, $0xb8;
	[tilespmem:$0x18100] =	vst v63  }
0x14d: {  	_ = 	snop  }
0x14e: {  	[tilespmem:s28], [sflag:$0x1] =	stream.indirect_vreg.gather [hbm4b:s5+s3], $0x80, v3, vm0, $0xb8;
	[tilespmem:$0x18100] =	vst v63  }
0x14f: {  	_ = 	snop  }
0x150: {  	[tilespmem:s29], [sflag:$0x1] =	stream.indirect_vreg.gather [hbm4b:s6+s3], $0x80, v3, vm0, $0xb8;
	[tilespmem:$0x18100] =	vst v63  }
0x151: {  	_ = 	snop  }
0x152: {  	[tilespmem:s30], [sflag:$0x1] =	stream.indirect_vreg.gather [hbm4b:s7+s3], $0x80, v3, vm0, $0xb8;
	[tilespmem:$0x18100] =	vst v63  }
0x153: {  	v3 =	vld [tilespmem:$0xD0];
	_ =	sdelay $0x4  }
0x154: {  	v61 =	vshll.u32 v3, $0x3  }
0x155: {  	v3 =	vand.u32 $0x7, v3;
	v4 =	vand.u32 $0xFFFFFFC0, v61  }
0x156: {  	v3 =	vor.u32 v3, v4  }
0x157: {  	v4 =	vperm.xlane v3, v0;
	_ =	sdelay $0x1  }
0x158: {  	v4 =	vadd.s32 v1, v4;
	_ =	sdelay $0x4  }
0x159: {  	[tilespmem:s31], [sflag:$0x1] =	stream.indirect_vreg.gather [hbm4b:s2+s3], $0x80, v4, vm0, $0xb8;
	[tilespmem:$0x18100] =	vst v63  }
0x15a: {  	s22 =	simm.s32 $0x4900;
	v3 =	vperm.xlane v3, v2  }
0x15b: {  	[tilespmem:s22], [sflag:$0x1] =	stream.indirect_vreg.gather [hbm4b:s5+s3], $0x80, v4, vm0, $0xb8;
	[tilespmem:$0x18100] =	vst v63  }
0x15c: {  	s21 =	simm.s32 $0x5100;
	v3 =	vadd.s32 v1, v3  }
0x15d: {  	[tilespmem:s21], [sflag:$0x1] =	stream.indirect_vreg.gather [hbm4b:s6+s3], $0x80, v4, vm0, $0xb8;
	[tilespmem:$0x18100] =	vst v63  }
0x15e: {  	s22 =	simm.s32 $0x5900  }
0x15f: {  	[tilespmem:s22], [sflag:$0x1] =	stream.indirect_vreg.gather [hbm4b:s7+s3], $0x80, v4, vm0, $0xb8;
	[tilespmem:$0x18100] =	vst v63  }
0x160: {  	s21 =	simm.s32 $0x6100  }
0x161: {  	[tilespmem:s21], [sflag:$0x1] =	stream.indirect_vreg.gather [hbm4b:s2+s3], $0x80, v3, vm0, $0xb8;
	[tilespmem:$0x18100] =	vst v63  }
0x162: {  	s22 =	simm.s32 $0x6900  }
0x163: {  	[tilespmem:s22], [sflag:$0x1] =	stream.indirect_vreg.gather [hbm4b:s5+s3], $0x80, v3, vm0, $0xb8;
	[tilespmem:$0x18100] =	vst v63  }
0x164: {  	s21 =	simm.s32 $0x7100  }
0x165: {  	[tilespmem:s21], [sflag:$0x1] =	stream.indirect_vreg.gather [hbm4b:s6+s3], $0x80, v3, vm0, $0xb8;
	[tilespmem:$0x18100] =	vst v63  }
0x166: {  	s22 =	simm.s32 $0x7900  }
0x167: {  	[tilespmem:s22], [sflag:$0x1] =	stream.indirect_vreg.gather [hbm4b:s7+s3], $0x80, v3, vm0, $0xb8;
	[tilespmem:$0x18100] =	vst v63  }
0x168: {  	_ =	swait.ge [sflag:s18], $0x8000  }
0x169: {  	[sflag:s18] =	ssyncset.done $0x0  }
0x16a: {  	s1 =	rddreg [dreg:$0x9];
	[sflag:s18] =	ssyncadd.s32 $0xFFFF8000  }
0x16b: {  	[hbm4b:s1+s3] =	stream.linear.scatter [tilespmem:s26], [sflag:$0x2], $0x8000, $0x38;
	[tilespmem:$0x18100] =	vst v63  }
0x16c: {  	_ =	swait.ge [sflag:s20], $0x8000  }
0x16d: {  	[sflag:s20] =	ssyncset.done $0x0  }
0x16e: {  	[sflag:s20] =	ssyncadd.s32 $0xFFFF8000  }
0x16f: {  	v3 =	vld [tilespmem:$0xE0];
	_ =	sdelay $0x4  }
0x170: {  	v62 =	vshll.u32 v3, $0x3  }
0x171: {  	v3 =	vand.u32 $0x7, v3;
	v4 =	vand.u32 $0xFFFFFFC0, v62  }
0x172: {  	v3 =	vor.u32 v3, v4  }
0x173: {  	v4 =	vperm.xlane v3, v0;
	_ =	sdelay $0x1  }
0x174: {  	v4 =	vadd.s32 v1, v4;
	_ =	sdelay $0x4  }
0x175: {  	[tilespmem:s0], [sflag:$0x1] =	stream.indirect_vreg.gather [hbm4b:s2+s3], $0x80, v4, vm0, $0xb8;
	[tilespmem:$0x18100] =	vst v63  }
0x176: {  	s22 =	simm.s32 $0x8900;
	v3 =	vperm.xlane v3, v2  }
0x177: {  	[tilespmem:s22], [sflag:$0x1] =	stream.indirect_vreg.gather [hbm4b:s5+s3], $0x80, v4, vm0, $0xb8;
	[tilespmem:$0x18100] =	vst v63  }
0x178: {  	s21 =	simm.s32 $0x9100;
	v3 =	vadd.s32 v1, v3  }
0x179: {  	[tilespmem:s21], [sflag:$0x1] =	stream.indirect_vreg.gather [hbm4b:s6+s3], $0x80, v4, vm0, $0xb8;
	[tilespmem:$0x18100] =	vst v63  }
0x17a: {  	s22 =	simm.s32 $0x9900  }
0x17b: {  	[tilespmem:s22], [sflag:$0x1] =	stream.indirect_vreg.gather [hbm4b:s7+s3], $0x80, v4, vm0, $0xb8;
	[tilespmem:$0x18100] =	vst v63  }
0x17c: {  	s21 =	simm.s32 $0xA100  }
0x17d: {  	[tilespmem:s21], [sflag:$0x1] =	stream.indirect_vreg.gather [hbm4b:s2+s3], $0x80, v3, vm0, $0xb8;
	[tilespmem:$0x18100] =	vst v63  }
0x17e: {  	s22 =	simm.s32 $0xA900  }
0x17f: {  	[tilespmem:s22], [sflag:$0x1] =	stream.indirect_vreg.gather [hbm4b:s5+s3], $0x80, v3, vm0, $0xb8;
	[tilespmem:$0x18100] =	vst v63  }
0x180: {  	s21 =	simm.s32 $0xB100  }
0x181: {  	[tilespmem:s21], [sflag:$0x1] =	stream.indirect_vreg.gather [hbm4b:s6+s3], $0x80, v3, vm0, $0xb8;
	[tilespmem:$0x18100] =	vst v63  }
0x182: {  	s22 =	simm.s32 $0xB900  }
0x183: {  	[tilespmem:s22], [sflag:$0x1] =	stream.indirect_vreg.gather [hbm4b:s7+s3], $0x80, v3, vm0, $0xb8;
	[tilespmem:$0x18100] =	vst v63  }
0x184: {  	v3 =	vld [tilespmem:$0xF0];
	_ =	sdelay $0x4  }
0x185: {  	v63 =	vshll.u32 v3, $0x3  }
0x186: {  	v3 =	vand.u32 $0x7, v3;
	v4 =	vand.u32 $0xFFFFFFC0, v63  }
0x187: {  	v3 =	vor.u32 v3, v4  }
0x188: {  	v4 =	vperm.xlane v3, v0;
	_ =	sdelay $0x1  }
0x189: {  	v4 =	vadd.s32 v1, v4;
	_ =	sdelay $0x3  }
0x18a: {  	s21 =	simm.s32 $0xC100  }
0x18b: {  	[tilespmem:s21], [sflag:$0x1] =	stream.indirect_vreg.gather [hbm4b:s2+s3], $0x80, v4, vm0, $0xb8;
	[tilespmem:$0x18100] =	vst v63  }
0x18c: {  	s22 =	simm.s32 $0xC900;
	v3 =	vperm.xlane v3, v2  }
0x18d: {  	[tilespmem:s22], [sflag:$0x1] =	stream.indirect_vreg.gather [hbm4b:s5+s3], $0x80, v4, vm0, $0xb8;
	[tilespmem:$0x18100] =	vst v63  }
0x18e: {  	v3 =	vadd.s32 v1, v3;
	s21 =	simm.s32 $0xD100  }
0x18f: {  	[tilespmem:s21], [sflag:$0x1] =	stream.indirect_vreg.gather [hbm4b:s6+s3], $0x80, v4, vm0, $0xb8;
	[tilespmem:$0x18100] =	vst v63  }
0x190: {  	s22 =	simm.s32 $0xD900  }
0x191: {  	[tilespmem:s22], [sflag:$0x1] =	stream.indirect_vreg.gather [hbm4b:s7+s3], $0x80, v4, vm0, $0xb8;
	[tilespmem:$0x18100] =	vst v63  }
0x192: {  	s21 =	simm.s32 $0xE100  }
0x193: {  	[tilespmem:s21], [sflag:$0x1] =	stream.indirect_vreg.gather [hbm4b:s2+s3], $0x80, v3, vm0, $0xb8;
	[tilespmem:$0x18100] =	vst v63  }
0x194: {  	s22 =	simm.s32 $0xE900  }
0x195: {  	[tilespmem:s22], [sflag:$0x1] =	stream.indirect_vreg.gather [hbm4b:s5+s3], $0x80, v3, vm0, $0xb8;
	[tilespmem:$0x18100] =	vst v63  }
0x196: {  	s21 =	simm.s32 $0xF100  }
0x197: {  	[tilespmem:s21], [sflag:$0x1] =	stream.indirect_vreg.gather [hbm4b:s6+s3], $0x80, v3, vm0, $0xb8;
	[tilespmem:$0x18100] =	vst v63  }
0x198: {  	s22 =	simm.s32 $0xF900  }
0x199: {  	[tilespmem:s22], [sflag:$0x1] =	stream.indirect_vreg.gather [hbm4b:s7+s3], $0x80, v3, vm0, $0xb8;
	[tilespmem:$0x18100] =	vst v63  }
0x19a: {  	_ =	swait.ge [sflag:s18], $0x8000  }
0x19b: {  	[sflag:s18] =	ssyncset.done $0x0  }
0x19c: {  	s1 =	rddreg [dreg:$0xa];
	[sflag:s18] =	ssyncadd.s32 $0xFFFF8000  }
0x19d: {  	[hbm4b:s1+s3] =	stream.linear.scatter [tilespmem:s25], [sflag:$0x2], $0x8000, $0x38;
	[tilespmem:$0x18100] =	vst v63  }
0x19e: {  	_ =	swait.ge [sflag:s18], $0x8000  }
0x19f: {  	[sflag:s18] =	ssyncset.done $0x0  }
0x1a0: {  	s22 =	rddreg [dreg:$0xb];
	[sflag:s18] =	ssyncadd.s32 $0xFFFF8000  }
0x1a1: {  	[hbm4b:s22+s3] =	stream.linear.scatter [tilespmem:s0], [sflag:$0x2], $0x8000, $0x38;
	[tilespmem:$0x18100] =	vst v63  }
0x1a2: {  	_ =	swait.ge [sflag:s20], $0x8000  }
0x1a3: {  	[sflag:s20] =	ssyncset.done $0x0  }
0x1a4: {  	[sflag:s20] =	ssyncadd.s32 $0xFFFF8000  }
0x1a5: {  	p0 =	sne.s32 s8, $0x1;
	_ =	swait.ge [sflag:s20], $0x8000  }
.Ltmp0:
0x1a6: {  	[sflag:s20] =	ssyncset.done $0x0;
	(pc) =	sbr.rel @p0 .LBB2_1-.Ltmp0, $4  }
0x1a7: {  	[sflag:s20] =	ssyncadd.s32 $0xFFFF8000  }
0x1a8: {  	_ =	swait.ge [sflag:s20], $0x8000  }
0x1a9: {  	[sflag:s20] =	ssyncset.done $0x0  }
0x1aa: {  	s8 =	sadd.s32 $0xFFFFFFFF, s8;
	[sflag:s20] =	ssyncadd.s32 $0xFFFF8000  }
0x1ab: {  	_ =	sfence.sel $0x180000  }
0x1ac: {  	[bflag:$0x0] =	sbarrier.arrive $0xFFFF  }
0x1ad: {  	_ =	strace $0x90000047  }
0x1ae: {  	s0 =	stileid.u32;
	[bflag:$0x2] =	sbarrier.arrive $0xFFFF  }
0x1af: {  	p0 =	sne.s32 s0, $0x0;
	s0 =	rddreg [dreg:$0x3]  }
0x1b0: {  	s0 =	sadd.s32 @!p0 $0x100000, s0  }
0x1b1: {  	[sflag:s0] =	ssyncadd.tile.s32 @!p0 $0x1;
	_ =	shalt  }
.Lfunc_end2:
_tile_overlayer_lowered:
.L_overlay_start_2:
0x1b2: {  	(tag) =	ssettag $0x2  }
0x1b3: {  	s0 =	rddreg [dreg:$0x0];
	s2 =	stileid.u32  }
0x1b4: {  	s1 =	rddreg [dreg:$0x1];
	p0 =	sne.s32 s2, $0x0  }
0x1b5: {  	s3 =	rddreg [dreg:$0x2];
	[bflag:$0x3] =	sbarrier.arrive $0xFFFF;
	s2 =	simm.s32 @!p0 $0x1C03  }
0x1b6: {  	[timem:s3], [sflag:s2] =	dma.local @!p0 [hbm:s0], s1  }
0x1b7: {  	s0 =	simm.s32 @!p0 $0x3  }
0x1b8: {  	_ =	swait.ge @!p0 [sflag:s0], s1  }
0x1b9: {  	s1 =	ssub.s32 @!p0 $0x0, s1;
	[sflag:s0] =	ssyncset.done @!p0 $0x0  }
0x1ba: {  	[sflag:s0] =	ssyncadd.s32 @!p0 s1  }
0x1bb: {  	[bflag:$0x3] =	sbarrier.arrive $0xFFFF  }
0x1bc: {  	_ =	shalt  }

</sc_bundles>
